<compile_context>
chip_gen: v7x
topology: tpu7x:2x2x1
jax: 0.10.2.dev20260603
libtpu: 0.0.44.dev20260713+nightly
codegen_flags: <defaults>
</compile_context>

<pallas_src>
import functools

import jax
import jax.numpy as jnp
from jax import lax
from jax.experimental import pallas as pl
from jax.experimental.pallas import tpu as pltpu
from jax.experimental.pallas import tpu_sc as plsc

_B, _S, _D = 16, 2048, 1024
_R = _B * _S
_NW = 32
_CH = 32
_CF = 16
_NBC = _S // _CH
_NR = 3


def kernel(x, lens):
    x2 = x.reshape(_R, _D)
    fill_const = jnp.full((_CF, _D), jnp.float32(-10000.0))
    mesh = plsc.VectorSubcoreMesh(core_axis_name="c", subcore_axis_name="s")

    @functools.partial(
        pl.kernel,
        mesh=mesh,
        out_type=jax.ShapeDtypeStruct((_R, _D), jnp.float32),
        scratch_types=[
            pltpu.VMEM((16,), jnp.int32),
            pltpu.VMEM_SHARED((_CF, _D), jnp.float32),
            pltpu.VMEM((_NR, _CH, _D), jnp.float32),
            pltpu.SemaphoreType.DMA((_NR,)),
            pltpu.SemaphoreType.DMA((_NR,)),
            pltpu.SemaphoreType.DMA,
            pltpu.SemaphoreType.DMA,
        ],
    )
    def body(x_hbm, lens_hbm, fillc_hbm, out_hbm, lens_v, fill_v, stage_v,
             rsem, wsem, fsem, ssem):
        cid = lax.axis_index("c")
        sid = lax.axis_index("s")
        w = sid * 2 + cid

        @pl.when(sid == 0)
        def _():
            pltpu.sync_copy(fillc_hbm, fill_v)
        pltpu.sync_copy(lens_hbm, lens_v)
        plsc.subcore_barrier()
        lv = lens_v[...]

        Lb = [lv[i] for i in range(_B)]
        ncb = [jnp.int32(0) for i in range(_B)]
        nst = [jnp.int32(0) for i in range(_B)]
        nfb = [2 * (_NBC - ncb[i] - nst[i]) for i in range(_B)]
        cp = [jnp.int32(0)]
        fp = [jnp.int32(0)]
        for i in range(_B):
            cp.append(cp[-1] + ncb[i])
            fp.append(fp[-1] + nfb[i])
        ncp = cp[-1]
        nf = fp[-1]

        def copy_row0(k):
            r = jnp.int32(0)
            for i in range(_B):
                inb = (k >= cp[i]) & (k < cp[i + 1])
                r = jnp.where(inb, i * _S + (k - cp[i]) * _CH, r)
            return pl.multiple_of(r, _CH)

        def fill_row0(k):
            r = jnp.int32(0)
            for i in range(_B):
                inb = (k >= fp[i]) & (k < fp[i + 1])
                r = jnp.where(
                    inb,
                    i * _S + (ncb[i] + nst[i]) * _CH + (k - fp[i]) * _CF, r)
            return pl.multiple_of(r, _CF)

        tfill = jnp.maximum(0, (nf - w + _NW - 1) // _NW)

        def fill_issue(i, carry):
            r = fill_row0(w + i * _NW)
            pltpu.make_async_copy(fill_v, out_hbm.at[pl.ds(r, _CF)], fsem).start()
            return carry

        lax.fori_loop(0, tfill, fill_issue, 0)

        Ls = jnp.int32(0)
        for i in range(_B):
            Ls = jnp.where(w == i, Lb[i], Ls)
        live = Ls % _CH
        present = (live != 0) & (w < _B)
        chunk0 = pl.multiple_of(w * _S + (Ls // _CH) * _CH, _CH)
        neg = jnp.full((16,), jnp.float32(-10000.0))
        npix = _D // 16

        @pl.when(present)
        def _():
            pltpu.sync_copy(x_hbm.at[pl.ds(chunk0, _CH)], stage_v.at[0])

            def mask_store(q, carry):
                r = live + q // npix
                stage_v[0, r, pl.ds((q % npix) * 16, 16)] = neg
                return carry

            lax.fori_loop(0, (_CH - live) * npix, mask_store, 0)
            pltpu.sync_copy(stage_v.at[0], out_hbm.at[pl.ds(chunk0, _CH)])

        tcopy = jnp.maximum(0, (ncp - w + _NW - 1) // _NW)

        def rd_at(row, sl):
            return pltpu.make_async_copy(
                x_hbm.at[pl.ds(row, _CH)], stage_v.at[sl], rsem.at[sl])

        def wr_at(row, sl):
            return pltpu.make_async_copy(
                stage_v.at[sl], out_hbm.at[pl.ds(row, _CH)], wsem.at[sl])

        def wr_drain(sl):
            pltpu.make_async_copy(
                stage_v.at[sl], out_hbm.at[pl.ds(0, _CH)], wsem.at[sl]).wait()

        r0 = copy_row0(w)

        @pl.when(tcopy > 0)
        def _():
            rd_at(r0, 0).start()

        def copy_loop(i, r_cur):
            r_cur = pl.multiple_of(r_cur, _CH)
            sl = lax.rem(i, _NR)
            rd_at(r_cur, sl).wait()
            wr_at(r_cur, sl).start()
            r_next = copy_row0(w + (i + 1) * _NW)

            @pl.when(i + 1 < tcopy)
            def _():
                @pl.when(i >= _NR - 1)
                def _():
                    wr_drain(lax.rem(i + 1, _NR))

                rd_at(r_next, lax.rem(i + 1, _NR)).start()

            return r_next

        lax.fori_loop(0, tcopy, copy_loop, r0)

        @pl.when(tcopy > 2)
        def _():
            wr_drain(lax.rem(tcopy - 3, _NR))

        @pl.when(tcopy > 1)
        def _():
            wr_drain(lax.rem(tcopy - 2, _NR))

        @pl.when(tcopy > 0)
        def _():
            wr_drain(lax.rem(tcopy - 1, _NR))

        def fill_drain(i, carry):
            pltpu.make_async_copy(
                fill_v, out_hbm.at[pl.ds(0, _CF)], fsem).wait()
            return carry

        lax.fori_loop(0, tfill, fill_drain, 0)

    out = body(x2, lens.astype(jnp.int32), fill_const)
    return out.reshape(_B, _S, _D)

# --- scband reference (transcript-rebuilt; emitter-appended) ---
"""Pipeline reference for scband-sequence-att-mask-5566277615813 (READ-ONLY COPY).

The authoritative reference and input builder live on the scoring server;
editing this copy changes nothing except your own understanding.
"""

import jax, jax.numpy as jnp
import numpy as np


def setup_inputs(seed: int = 0) -> dict:
    key = jax.random.key(seed)
    k1, k2 = jax.random.split(key)
    x = jax.random.normal(k1, (16, 2048, 1024), dtype=jnp.float32)
    lens = jax.random.randint(k2, (16,), 0, 2048, dtype=jnp.int64) if jax.config.jax_enable_x64 else jax.random.randint(k2, (16,), 0, 2048, dtype=jnp.int32)
    return {"x": x, "lens": lens}


def reference(x, lens):
    # mask[b, t] = (t >= lens[b]); x[mask] = -10000.0 across all d_model
    max_len = x.shape[1]
    positions = jnp.arange(0, max_len, 1)[None, :]
    mask = positions >= lens[:, None]  # [B, max_len]
    out = jnp.where(mask[:, :, None], jnp.float32(-10000.0), x)
    return out

if __name__ == "__main__":
    import jax
    _d = setup_inputs()
    print(jax.jit(kernel)(*tuple(_d.values())))

</pallas_src>

<mosaic_0001>
#map = affine_map<(d0, d1) -> (0, 0)>
#map1 = affine_map<(d0, d1) -> (0)>
module attributes {stable_mosaic.version = 14 : i64} {
  func.func @body(%arg0: i32, %arg1: i32, %arg2: memref<32768x1024xf32, #tpu.memory_space<hbm>>, %arg3: memref<16xi32, #tpu.memory_space<hbm>>, %arg4: memref<16x1024xf32, #tpu.memory_space<hbm>>, %arg5: memref<32768x1024xf32, #tpu.memory_space<hbm>>, %arg6: memref<16xi32, #tpu.memory_space<vmem>>, %arg7: memref<16x1024xf32, #tpu.memory_space<vmem_shared>>, %arg8: memref<3x32x1024xf32, #tpu.memory_space<vmem>>, %arg9: memref<3x!tpu.dma_semaphore, #tpu.memory_space<semaphore_mem>>, %arg10: memref<3x!tpu.dma_semaphore, #tpu.memory_space<semaphore_mem>>, %arg11: memref<!tpu.dma_semaphore, #tpu.memory_space<semaphore_mem>>, %arg12: memref<!tpu.dma_semaphore, #tpu.memory_space<semaphore_mem>>) attributes {dimension_semantics = [#tpu.dimension_semantics<core_parallel>, #tpu.dimension_semantics<subcore_parallel>], iteration_bounds = array<i64: 2, 16>, scalar_prefetch = 0 : i64, scratch_operands = 7 : i64, tpu.core_type = #tpu.core_type<sc_vector_subcore>, window_params = [{transform_indices = #map}, {transform_indices = #map1}, {transform_indices = #map}, {transform_indices = #map}]} {
    %mul3A = arith.constant 2 : i32
    %mul3A_0 = arith.muli %arg1, %mul3A : i32
    %add3A = arith.addi %mul3A_0, %arg0 : i32
    %eq3A = arith.constant 0 : i32
    %eq3A_1 = arith.cmpi eq, %arg1, %eq3A : i32
    %convert_element_type3A = arith.extui %eq3A_1 : i1 to i32
    %cond3A = arith.constant 0 : i32
    %cond3A_2 = arith.cmpi ne, %convert_element_type3A, %cond3A : i32
    scf.if %cond3A_2 {
      "tpu.region"() ({
        %run_scoped3A = tpu.sem_alloc : memref<!tpu.dma_semaphore, #tpu.memory_space<semaphore_mem>>
        tpu.enqueue_dma source(%arg4 : memref<16x1024xf32, #tpu.memory_space<hbm>>) target(%arg7 : memref<16x1024xf32, #tpu.memory_space<vmem_shared>>) target_semaphore(%run_scoped3A : memref<!tpu.dma_semaphore, #tpu.memory_space<semaphore_mem>>)
        tpu.wait_dma2 semaphore(%run_scoped3A : memref<!tpu.dma_semaphore, #tpu.memory_space<semaphore_mem>>) src(%arg4 : memref<16x1024xf32, #tpu.memory_space<hbm>>) dst(%arg7 : memref<16x1024xf32, #tpu.memory_space<vmem_shared>>)
        tpu.yield
      }) : () -> ()
    } else {
    }
    "tpu.region"() ({
      %run_scoped3A = tpu.sem_alloc : memref<!tpu.dma_semaphore, #tpu.memory_space<semaphore_mem>>
      tpu.enqueue_dma source(%arg3 : memref<16xi32, #tpu.memory_space<hbm>>) target(%arg6 : memref<16xi32, #tpu.memory_space<vmem>>) target_semaphore(%run_scoped3A : memref<!tpu.dma_semaphore, #tpu.memory_space<semaphore_mem>>)
      tpu.wait_dma2 semaphore(%run_scoped3A : memref<!tpu.dma_semaphore, #tpu.memory_space<semaphore_mem>>) src(%arg3 : memref<16xi32, #tpu.memory_space<hbm>>) dst(%arg6 : memref<16xi32, #tpu.memory_space<vmem>>)
      tpu.yield
    }) : () -> ()
    %barrier3A = arith.constant 0 : index
    tpu.barrier barrier_id(%barrier3A)
    %get3A = arith.constant 0 : index
    %get3A_3 = tpu.vector_load %arg6[%get3A] {strides = array<i32>} : memref<16xi32, #tpu.memory_space<vmem>>, vector<16xi32>,
    %get3A_4 = vector.shape_cast %get3A_3 : vector<16xi32> to vector<16xi32>
    %slice3A = vector.extract_strided_slice %get3A_4 {offsets = [0], sizes = [1], strides = [1]} : vector<16xi32> to vector<1xi32>
    %squeeze3A = vector.extract %slice3A[0] : i32 from vector<1xi32>
    %slice3A_5 = vector.extract_strided_slice %get3A_4 {offsets = [1], sizes = [1], strides = [1]} : vector<16xi32> to vector<1xi32>
    %squeeze3A_6 = vector.extract %slice3A_5[0] : i32 from vector<1xi32>
    %slice3A_7 = vector.extract_strided_slice %get3A_4 {offsets = [2], sizes = [1], strides = [1]} : vector<16xi32> to vector<1xi32>
    %squeeze3A_8 = vector.extract %slice3A_7[0] : i32 from vector<1xi32>
    %slice3A_9 = vector.extract_strided_slice %get3A_4 {offsets = [3], sizes = [1], strides = [1]} : vector<16xi32> to vector<1xi32>
    %squeeze3A_10 = vector.extract %slice3A_9[0] : i32 from vector<1xi32>
    %slice3A_11 = vector.extract_strided_slice %get3A_4 {offsets = [4], sizes = [1], strides = [1]} : vector<16xi32> to vector<1xi32>
    %squeeze3A_12 = vector.extract %slice3A_11[0] : i32 from vector<1xi32>
    %slice3A_13 = vector.extract_strided_slice %get3A_4 {offsets = [5], sizes = [1], strides = [1]} : vector<16xi32> to vector<1xi32>
    %squeeze3A_14 = vector.extract %slice3A_13[0] : i32 from vector<1xi32>
    %slice3A_15 = vector.extract_strided_slice %get3A_4 {offsets = [6], sizes = [1], strides = [1]} : vector<16xi32> to vector<1xi32>
    %squeeze3A_16 = vector.extract %slice3A_15[0] : i32 from vector<1xi32>
    %slice3A_17 = vector.extract_strided_slice %get3A_4 {offsets = [7], sizes = [1], strides = [1]} : vector<16xi32> to vector<1xi32>
    %squeeze3A_18 = vector.extract %slice3A_17[0] : i32 from vector<1xi32>
    %slice3A_19 = vector.extract_strided_slice %get3A_4 {offsets = [8], sizes = [1], strides = [1]} : vector<16xi32> to vector<1xi32>
    %squeeze3A_20 = vector.extract %slice3A_19[0] : i32 from vector<1xi32>
    %slice3A_21 = vector.extract_strided_slice %get3A_4 {offsets = [9], sizes = [1], strides = [1]} : vector<16xi32> to vector<1xi32>
    %squeeze3A_22 = vector.extract %slice3A_21[0] : i32 from vector<1xi32>
    %slice3A_23 = vector.extract_strided_slice %get3A_4 {offsets = [10], sizes = [1], strides = [1]} : vector<16xi32> to vector<1xi32>
    %squeeze3A_24 = vector.extract %slice3A_23[0] : i32 from vector<1xi32>
    %slice3A_25 = vector.extract_strided_slice %get3A_4 {offsets = [11], sizes = [1], strides = [1]} : vector<16xi32> to vector<1xi32>
    %squeeze3A_26 = vector.extract %slice3A_25[0] : i32 from vector<1xi32>
    %slice3A_27 = vector.extract_strided_slice %get3A_4 {offsets = [12], sizes = [1], strides = [1]} : vector<16xi32> to vector<1xi32>
    %squeeze3A_28 = vector.extract %slice3A_27[0] : i32 from vector<1xi32>
    %slice3A_29 = vector.extract_strided_slice %get3A_4 {offsets = [13], sizes = [1], strides = [1]} : vector<16xi32> to vector<1xi32>
    %squeeze3A_30 = vector.extract %slice3A_29[0] : i32 from vector<1xi32>
    %slice3A_31 = vector.extract_strided_slice %get3A_4 {offsets = [14], sizes = [1], strides = [1]} : vector<16xi32> to vector<1xi32>
    %squeeze3A_32 = vector.extract %slice3A_31[0] : i32 from vector<1xi32>
    %slice3A_33 = vector.extract_strided_slice %get3A_4 {offsets = [15], sizes = [1], strides = [1]} : vector<16xi32> to vector<1xi32>
    %squeeze3A_34 = vector.extract %slice3A_33[0] : i32 from vector<1xi32>
    %sub3A = arith.constant 64 : i32
    %sub3A_35 = arith.constant 0 : i32
    %sub3A_36 = arith.subi %sub3A, %sub3A_35 : i32
    %sub3A_37 = arith.constant 0 : i32
    %sub3A_38 = arith.subi %sub3A_36, %sub3A_37 : i32
    %mul3A_39 = arith.constant 2 : i32
    %mul3A_40 = arith.muli %mul3A_39, %sub3A_38 : i32
    %sub3A_41 = arith.constant 64 : i32
    %sub3A_42 = arith.constant 0 : i32
    %sub3A_43 = arith.subi %sub3A_41, %sub3A_42 : i32
    %sub3A_44 = arith.constant 0 : i32
    %sub3A_45 = arith.subi %sub3A_43, %sub3A_44 : i32
    %mul3A_46 = arith.constant 2 : i32
    %mul3A_47 = arith.muli %mul3A_46, %sub3A_45 : i32
    %sub3A_48 = arith.constant 64 : i32
    %sub3A_49 = arith.constant 0 : i32
    %sub3A_50 = arith.subi %sub3A_48, %sub3A_49 : i32
    %sub3A_51 = arith.constant 0 : i32
    %sub3A_52 = arith.subi %sub3A_50, %sub3A_51 : i32
    %mul3A_53 = arith.constant 2 : i32
    %mul3A_54 = arith.muli %mul3A_53, %sub3A_52 : i32
    %sub3A_55 = arith.constant 64 : i32
    %sub3A_56 = arith.constant 0 : i32
    %sub3A_57 = arith.subi %sub3A_55, %sub3A_56 : i32
    %sub3A_58 = arith.constant 0 : i32
    %sub3A_59 = arith.subi %sub3A_57, %sub3A_58 : i32
    %mul3A_60 = arith.constant 2 : i32
    %mul3A_61 = arith.muli %mul3A_60, %sub3A_59 : i32
    %sub3A_62 = arith.constant 64 : i32
    %sub3A_63 = arith.constant 0 : i32
    %sub3A_64 = arith.subi %sub3A_62, %sub3A_63 : i32
    %sub3A_65 = arith.constant 0 : i32
    %sub3A_66 = arith.subi %sub3A_64, %sub3A_65 : i32
    %mul3A_67 = arith.constant 2 : i32
    %mul3A_68 = arith.muli %mul3A_67, %sub3A_66 : i32
    %sub3A_69 = arith.constant 64 : i32
    %sub3A_70 = arith.constant 0 : i32
    %sub3A_71 = arith.subi %sub3A_69, %sub3A_70 : i32
    %sub3A_72 = arith.constant 0 : i32
    %sub3A_73 = arith.subi %sub3A_71, %sub3A_72 : i32
    %mul3A_74 = arith.constant 2 : i32
    %mul3A_75 = arith.muli %mul3A_74, %sub3A_73 : i32
    %sub3A_76 = arith.constant 64 : i32
    %sub3A_77 = arith.constant 0 : i32
    %sub3A_78 = arith.subi %sub3A_76, %sub3A_77 : i32
    %sub3A_79 = arith.constant 0 : i32
    %sub3A_80 = arith.subi %sub3A_78, %sub3A_79 : i32
    %mul3A_81 = arith.constant 2 : i32
    %mul3A_82 = arith.muli %mul3A_81, %sub3A_80 : i32
    %sub3A_83 = arith.constant 64 : i32
    %sub3A_84 = arith.constant 0 : i32
    %sub3A_85 = arith.subi %sub3A_83, %sub3A_84 : i32
    %sub3A_86 = arith.constant 0 : i32
    %sub3A_87 = arith.subi %sub3A_85, %sub3A_86 : i32
    %mul3A_88 = arith.constant 2 : i32
    %mul3A_89 = arith.muli %mul3A_88, %sub3A_87 : i32
    %sub3A_90 = arith.constant 64 : i32
    %sub3A_91 = arith.constant 0 : i32
    %sub3A_92 = arith.subi %sub3A_90, %sub3A_91 : i32
    %sub3A_93 = arith.constant 0 : i32
    %sub3A_94 = arith.subi %sub3A_92, %sub3A_93 : i32
    %mul3A_95 = arith.constant 2 : i32
    %mul3A_96 = arith.muli %mul3A_95, %sub3A_94 : i32
    %sub3A_97 = arith.constant 64 : i32
    %sub3A_98 = arith.constant 0 : i32
    %sub3A_99 = arith.subi %sub3A_97, %sub3A_98 : i32
    %sub3A_100 = arith.constant 0 : i32
    %sub3A_101 = arith.subi %sub3A_99, %sub3A_100 : i32
    %mul3A_102 = arith.constant 2 : i32
    %mul3A_103 = arith.muli %mul3A_102, %sub3A_101 : i32
    %sub3A_104 = arith.constant 64 : i32
    %sub3A_105 = arith.constant 0 : i32
    %sub3A_106 = arith.subi %sub3A_104, %sub3A_105 : i32
    %sub3A_107 = arith.constant 0 : i32
    %sub3A_108 = arith.subi %sub3A_106, %sub3A_107 : i32
    %mul3A_109 = arith.constant 2 : i32
    %mul3A_110 = arith.muli %mul3A_109, %sub3A_108 : i32
    %sub3A_111 = arith.constant 64 : i32
    %sub3A_112 = arith.constant 0 : i32
    %sub3A_113 = arith.subi %sub3A_111, %sub3A_112 : i32
    %sub3A_114 = arith.constant 0 : i32
    %sub3A_115 = arith.subi %sub3A_113, %sub3A_114 : i32
    %mul3A_116 = arith.constant 2 : i32
    %mul3A_117 = arith.muli %mul3A_116, %sub3A_115 : i32
    %sub3A_118 = arith.constant 64 : i32
    %sub3A_119 = arith.constant 0 : i32
    %sub3A_120 = arith.subi %sub3A_118, %sub3A_119 : i32
    %sub3A_121 = arith.constant 0 : i32
    %sub3A_122 = arith.subi %sub3A_120, %sub3A_121 : i32
    %mul3A_123 = arith.constant 2 : i32
    %mul3A_124 = arith.muli %mul3A_123, %sub3A_122 : i32
    %sub3A_125 = arith.constant 64 : i32
    %sub3A_126 = arith.constant 0 : i32
    %sub3A_127 = arith.subi %sub3A_125, %sub3A_126 : i32
    %sub3A_128 = arith.constant 0 : i32
    %sub3A_129 = arith.subi %sub3A_127, %sub3A_128 : i32
    %mul3A_130 = arith.constant 2 : i32
    %mul3A_131 = arith.muli %mul3A_130, %sub3A_129 : i32
    %sub3A_132 = arith.constant 64 : i32
    %sub3A_133 = arith.constant 0 : i32
    %sub3A_134 = arith.subi %sub3A_132, %sub3A_133 : i32
    %sub3A_135 = arith.constant 0 : i32
    %sub3A_136 = arith.subi %sub3A_134, %sub3A_135 : i32
    %mul3A_137 = arith.constant 2 : i32
    %mul3A_138 = arith.muli %mul3A_137, %sub3A_136 : i32
    %sub3A_139 = arith.constant 64 : i32
    %sub3A_140 = arith.constant 0 : i32
    %sub3A_141 = arith.subi %sub3A_139, %sub3A_140 : i32
    %sub3A_142 = arith.constant 0 : i32
    %sub3A_143 = arith.subi %sub3A_141, %sub3A_142 : i32
    %mul3A_144 = arith.constant 2 : i32
    %mul3A_145 = arith.muli %mul3A_144, %sub3A_143 : i32
    %add3A_146 = arith.constant 0 : i32
    %add3A_147 = arith.constant 0 : i32
    %add3A_148 = arith.addi %add3A_146, %add3A_147 : i32
    %add3A_149 = arith.constant 0 : i32
    %add3A_150 = arith.addi %add3A_149, %mul3A_40 : i32
    %add3A_151 = arith.constant 0 : i32
    %add3A_152 = arith.addi %add3A_148, %add3A_151 : i32
    %add3A_153 = arith.addi %add3A_150, %mul3A_47 : i32
    %add3A_154 = arith.constant 0 : i32
    %add3A_155 = arith.addi %add3A_152, %add3A_154 : i32
    %add3A_156 = arith.addi %add3A_153, %mul3A_54 : i32
    %add3A_157 = arith.constant 0 : i32
    %add3A_158 = arith.addi %add3A_155, %add3A_157 : i32
    %add3A_159 = arith.addi %add3A_156, %mul3A_61 : i32
    %add3A_160 = arith.constant 0 : i32
    %add3A_161 = arith.addi %add3A_158, %add3A_160 : i32
    %add3A_162 = arith.addi %add3A_159, %mul3A_68 : i32
    %add3A_163 = arith.constant 0 : i32
    %add3A_164 = arith.addi %add3A_161, %add3A_163 : i32
    %add3A_165 = arith.addi %add3A_162, %mul3A_75 : i32
    %add3A_166 = arith.constant 0 : i32
    %add3A_167 = arith.addi %add3A_164, %add3A_166 : i32
    %add3A_168 = arith.addi %add3A_165, %mul3A_82 : i32
    %add3A_169 = arith.constant 0 : i32
    %add3A_170 = arith.addi %add3A_167, %add3A_169 : i32
    %add3A_171 = arith.addi %add3A_168, %mul3A_89 : i32
    %add3A_172 = arith.constant 0 : i32
    %add3A_173 = arith.addi %add3A_170, %add3A_172 : i32
    %add3A_174 = arith.addi %add3A_171, %mul3A_96 : i32
    %add3A_175 = arith.constant 0 : i32
    %add3A_176 = arith.addi %add3A_173, %add3A_175 : i32
    %add3A_177 = arith.addi %add3A_174, %mul3A_103 : i32
    %add3A_178 = arith.constant 0 : i32
    %add3A_179 = arith.addi %add3A_176, %add3A_178 : i32
    %add3A_180 = arith.addi %add3A_177, %mul3A_110 : i32
    %add3A_181 = arith.constant 0 : i32
    %add3A_182 = arith.addi %add3A_179, %add3A_181 : i32
    %add3A_183 = arith.addi %add3A_180, %mul3A_117 : i32
    %add3A_184 = arith.constant 0 : i32
    %add3A_185 = arith.addi %add3A_182, %add3A_184 : i32
    %add3A_186 = arith.addi %add3A_183, %mul3A_124 : i32
    %add3A_187 = arith.constant 0 : i32
    %add3A_188 = arith.addi %add3A_185, %add3A_187 : i32
    %add3A_189 = arith.addi %add3A_186, %mul3A_131 : i32
    %add3A_190 = arith.constant 0 : i32
    %add3A_191 = arith.addi %add3A_188, %add3A_190 : i32
    %add3A_192 = arith.addi %add3A_189, %mul3A_138 : i32
    %add3A_193 = arith.constant 0 : i32
    %add3A_194 = arith.addi %add3A_191, %add3A_193 : i32
    %add3A_195 = arith.addi %add3A_192, %mul3A_145 : i32
    %sub3A_196 = arith.subi %add3A_195, %add3A : i32
    %add3A_197 = arith.constant 32 : i32
    %add3A_198 = arith.addi %sub3A_196, %add3A_197 : i32
    %sub3A_199 = arith.constant 1 : i32
    %sub3A_200 = arith.subi %add3A_198, %sub3A_199 : i32
    %jit3A = arith.constant 32 : i32
    %div3A = arith.divsi %sub3A_200, %jit3A : i32
    %sign3A = arith.constant 0 : i32
    %sign3A_201 = arith.cmpi sgt, %sub3A_200, %sign3A : i32
    %sign3A_202 = arith.extui %sign3A_201 : i1 to i32
    %sign3A_203 = arith.constant 0 : i32
    %sign3A_204 = arith.cmpi slt, %sub3A_200, %sign3A_203 : i32
    %sign3A_205 = arith.extui %sign3A_204 : i1 to i32
    %sign3A_206 = arith.subi %sign3A_202, %sign3A_205 : i32
    %sign3A_207 = arith.constant 0 : i32
    %sign3A_208 = arith.cmpi sgt, %jit3A, %sign3A_207 : i32
    %sign3A_209 = arith.extui %sign3A_208 : i1 to i32
    %sign3A_210 = arith.constant 0 : i32
    %sign3A_211 = arith.cmpi slt, %jit3A, %sign3A_210 : i32
    %sign3A_212 = arith.extui %sign3A_211 : i1 to i32
    %sign3A_213 = arith.subi %sign3A_209, %sign3A_212 : i32
    %ne3A = arith.cmpi ne, %sign3A_206, %sign3A_213 : i32
    %rem3A = arith.remsi %sub3A_200, %jit3A : i32
    %ne3A_214 = arith.constant 0 : i32
    %ne3A_215 = arith.cmpi ne, %rem3A, %ne3A_214 : i32
    %and3A = arith.andi %ne3A, %ne3A_215 : i1
    %sub3A_216 = arith.constant 1 : i32
    %sub3A_217 = arith.subi %div3A, %sub3A_216 : i32
    %select_n3A = arith.select %and3A, %sub3A_217, %div3A : i32
    %max3A = arith.constant 0 : i32
    %max3A_218 = arith.maxsi %max3A, %select_n3A : i32
    %while3A = arith.constant 0 : i32
    %while3A_219 = arith.constant 0 : i32
    %while3A_220 = arith.constant 0 : i32
    %while3A_221 = arith.constant 0 : i32
    %while3A_222 = arith.constant 0 : i32
    %while3A_223 = arith.constant 0 : i32
    %while3A_224 = arith.constant 0 : i32
    %while3A_225 = arith.constant 0 : i32
    %while3A_226 = arith.constant 0 : i32
    %while3A_227 = arith.constant 0 : i32
    %while3A_228 = arith.constant 0 : i32
    %while3A_229 = arith.constant 0 : i32
    %while3A_230 = arith.constant 0 : i32
    %while3A_231 = arith.constant 0 : i32
    %while3A_232 = arith.constant 0 : i32
    %while3A_233 = arith.constant 0 : i32
    %while3A_234 = arith.constant 0 : i32
    %while3A_235 = arith.constant 0 : i32
    %while3A_236 = arith.constant 0 : i32
    %while3A_237 = arith.constant 0 : i32
    %while3A_238 = arith.constant 0 : i32
    %while3A_239 = arith.constant 0 : i32
    %while3A_240 = arith.constant 0 : i32
    %while3A_241 = arith.constant 0 : i32
    %while3A_242 = arith.constant 0 : i32
    %while3A_243 = arith.constant 0 : i32
    %while3A_244 = arith.constant 0 : i32
    %while3A_245 = arith.constant 0 : i32
    %while3A_246 = arith.constant 0 : i32
    %while3A_247 = arith.constant 0 : i32
    %while3A_248 = arith.constant 0 : i32
    %while3A_249 = arith.constant 0 : i32
    %while3A_250 = arith.constant 0 : i32
    %while3A_251 = arith.constant 0 : i32
    %while3A_252 = arith.constant 0 : i32
    %while3A_253 = arith.subi %max3A_218, %while3A_252 : i32
    %while3A_254 = arith.addi %while3A_252, %while3A_253 : i32
    %while3A_255 = arith.constant 1 : i32
    %while3A_256 = arith.divsi %while3A_253, %while3A_255 : i32
    %while3A_257 = arith.muli %while3A_256, %while3A_255 : i32
    %while3A_258 = arith.addi %while3A_252, %while3A_257 : i32
    %while3A_259 = arith.constant 1 : i32
    scf.for %while3A_582 = %while3A_252 to %while3A_258 step %while3A_259  : i32 {
      %mul3A_583 = arith.constant 32 : i32
      %mul3A_584 = arith.muli %while3A_582, %mul3A_583 : i32
      %add3A_585 = arith.addi %add3A, %mul3A_584 : i32
      %ge3A_586 = arith.cmpi sge, %add3A_585, %while3A_219 : i32
      %lt3A_587 = arith.cmpi slt, %add3A_585, %add3A_150 : i32
      %and3A_588 = arith.andi %ge3A_586, %lt3A_587 : i1
      %add3A_589 = arith.addi %while3A_220, %while3A_221 : i32
      %mul3A_590 = arith.constant 32 : i32
      %mul3A_591 = arith.muli %add3A_589, %mul3A_590 : i32
      %add3A_592 = arith.constant 0 : i32
      %add3A_593 = arith.addi %add3A_592, %mul3A_591 : i32
      %sub3A_594 = arith.subi %add3A_585, %while3A_219 : i32
      %mul3A_595 = arith.constant 16 : i32
      %mul3A_596 = arith.muli %sub3A_594, %mul3A_595 : i32
      %add3A_597 = arith.addi %add3A_593, %mul3A_596 : i32
      %jit3A_598 = arith.constant 0 : i32
      %select_n3A_599 = arith.select %and3A_588, %add3A_597, %jit3A_598 : i32
      %ge3A_600 = arith.cmpi sge, %add3A_585, %add3A_150 : i32
      %lt3A_601 = arith.cmpi slt, %add3A_585, %add3A_153 : i32
      %and3A_602 = arith.andi %ge3A_600, %lt3A_601 : i1
      %add3A_603 = arith.addi %while3A_222, %while3A_223 : i32
      %mul3A_604 = arith.constant 32 : i32
      %mul3A_605 = arith.muli %add3A_603, %mul3A_604 : i32
      %add3A_606 = arith.constant 2048 : i32
      %add3A_607 = arith.addi %add3A_606, %mul3A_605 : i32
      %sub3A_608 = arith.subi %add3A_585, %add3A_150 : i32
      %mul3A_609 = arith.constant 16 : i32
      %mul3A_610 = arith.muli %sub3A_608, %mul3A_609 : i32
      %add3A_611 = arith.addi %add3A_607, %mul3A_610 : i32
      %select_n3A_612 = arith.select %and3A_602, %add3A_611, %select_n3A_599 : i32
      %ge3A_613 = arith.cmpi sge, %add3A_585, %add3A_153 : i32
      %lt3A_614 = arith.cmpi slt, %add3A_585, %add3A_156 : i32
      %and3A_615 = arith.andi %ge3A_613, %lt3A_614 : i1
      %add3A_616 = arith.addi %while3A_224, %while3A_225 : i32
      %mul3A_617 = arith.constant 32 : i32
      %mul3A_618 = arith.muli %add3A_616, %mul3A_617 : i32
      %add3A_619 = arith.constant 4096 : i32
      %add3A_620 = arith.addi %add3A_619, %mul3A_618 : i32
      %sub3A_621 = arith.subi %add3A_585, %add3A_153 : i32
      %mul3A_622 = arith.constant 16 : i32
      %mul3A_623 = arith.muli %sub3A_621, %mul3A_622 : i32
      %add3A_624 = arith.addi %add3A_620, %mul3A_623 : i32
      %select_n3A_625 = arith.select %and3A_615, %add3A_624, %select_n3A_612 : i32
      %ge3A_626 = arith.cmpi sge, %add3A_585, %add3A_156 : i32
      %lt3A_627 = arith.cmpi slt, %add3A_585, %add3A_159 : i32
      %and3A_628 = arith.andi %ge3A_626, %lt3A_627 : i1
      %add3A_629 = arith.addi %while3A_226, %while3A_227 : i32
      %mul3A_630 = arith.constant 32 : i32
      %mul3A_631 = arith.muli %add3A_629, %mul3A_630 : i32
      %add3A_632 = arith.constant 6144 : i32
      %add3A_633 = arith.addi %add3A_632, %mul3A_631 : i32
      %sub3A_634 = arith.subi %add3A_585, %add3A_156 : i32
      %mul3A_635 = arith.constant 16 : i32
      %mul3A_636 = arith.muli %sub3A_634, %mul3A_635 : i32
      %add3A_637 = arith.addi %add3A_633, %mul3A_636 : i32
      %select_n3A_638 = arith.select %and3A_628, %add3A_637, %select_n3A_625 : i32
      %ge3A_639 = arith.cmpi sge, %add3A_585, %add3A_159 : i32
      %lt3A_640 = arith.cmpi slt, %add3A_585, %add3A_162 : i32
      %and3A_641 = arith.andi %ge3A_639, %lt3A_640 : i1
      %add3A_642 = arith.addi %while3A_228, %while3A_229 : i32
      %mul3A_643 = arith.constant 32 : i32
      %mul3A_644 = arith.muli %add3A_642, %mul3A_643 : i32
      %add3A_645 = arith.constant 8192 : i32
      %add3A_646 = arith.addi %add3A_645, %mul3A_644 : i32
      %sub3A_647 = arith.subi %add3A_585, %add3A_159 : i32
      %mul3A_648 = arith.constant 16 : i32
      %mul3A_649 = arith.muli %sub3A_647, %mul3A_648 : i32
      %add3A_650 = arith.addi %add3A_646, %mul3A_649 : i32
      %select_n3A_651 = arith.select %and3A_641, %add3A_650, %select_n3A_638 : i32
      %ge3A_652 = arith.cmpi sge, %add3A_585, %add3A_162 : i32
      %lt3A_653 = arith.cmpi slt, %add3A_585, %add3A_165 : i32
      %and3A_654 = arith.andi %ge3A_652, %lt3A_653 : i1
      %add3A_655 = arith.addi %while3A_230, %while3A_231 : i32
      %mul3A_656 = arith.constant 32 : i32
      %mul3A_657 = arith.muli %add3A_655, %mul3A_656 : i32
      %add3A_658 = arith.constant 10240 : i32
      %add3A_659 = arith.addi %add3A_658, %mul3A_657 : i32
      %sub3A_660 = arith.subi %add3A_585, %add3A_162 : i32
      %mul3A_661 = arith.constant 16 : i32
      %mul3A_662 = arith.muli %sub3A_660, %mul3A_661 : i32
      %add3A_663 = arith.addi %add3A_659, %mul3A_662 : i32
      %select_n3A_664 = arith.select %and3A_654, %add3A_663, %select_n3A_651 : i32
      %ge3A_665 = arith.cmpi sge, %add3A_585, %add3A_165 : i32
      %lt3A_666 = arith.cmpi slt, %add3A_585, %add3A_168 : i32
      %and3A_667 = arith.andi %ge3A_665, %lt3A_666 : i1
      %add3A_668 = arith.addi %while3A_232, %while3A_233 : i32
      %mul3A_669 = arith.constant 32 : i32
      %mul3A_670 = arith.muli %add3A_668, %mul3A_669 : i32
      %add3A_671 = arith.constant 12288 : i32
      %add3A_672 = arith.addi %add3A_671, %mul3A_670 : i32
      %sub3A_673 = arith.subi %add3A_585, %add3A_165 : i32
      %mul3A_674 = arith.constant 16 : i32
      %mul3A_675 = arith.muli %sub3A_673, %mul3A_674 : i32
      %add3A_676 = arith.addi %add3A_672, %mul3A_675 : i32
      %select_n3A_677 = arith.select %and3A_667, %add3A_676, %select_n3A_664 : i32
      %ge3A_678 = arith.cmpi sge, %add3A_585, %add3A_168 : i32
      %lt3A_679 = arith.cmpi slt, %add3A_585, %add3A_171 : i32
      %and3A_680 = arith.andi %ge3A_678, %lt3A_679 : i1
      %add3A_681 = arith.addi %while3A_234, %while3A_235 : i32
      %mul3A_682 = arith.constant 32 : i32
      %mul3A_683 = arith.muli %add3A_681, %mul3A_682 : i32
      %add3A_684 = arith.constant 14336 : i32
      %add3A_685 = arith.addi %add3A_684, %mul3A_683 : i32
      %sub3A_686 = arith.subi %add3A_585, %add3A_168 : i32
      %mul3A_687 = arith.constant 16 : i32
      %mul3A_688 = arith.muli %sub3A_686, %mul3A_687 : i32
      %add3A_689 = arith.addi %add3A_685, %mul3A_688 : i32
      %select_n3A_690 = arith.select %and3A_680, %add3A_689, %select_n3A_677 : i32
      %ge3A_691 = arith.cmpi sge, %add3A_585, %add3A_171 : i32
      %lt3A_692 = arith.cmpi slt, %add3A_585, %add3A_174 : i32
      %and3A_693 = arith.andi %ge3A_691, %lt3A_692 : i1
      %add3A_694 = arith.addi %while3A_236, %while3A_237 : i32
      %mul3A_695 = arith.constant 32 : i32
      %mul3A_696 = arith.muli %add3A_694, %mul3A_695 : i32
      %add3A_697 = arith.constant 16384 : i32
      %add3A_698 = arith.addi %add3A_697, %mul3A_696 : i32
      %sub3A_699 = arith.subi %add3A_585, %add3A_171 : i32
      %mul3A_700 = arith.constant 16 : i32
      %mul3A_701 = arith.muli %sub3A_699, %mul3A_700 : i32
      %add3A_702 = arith.addi %add3A_698, %mul3A_701 : i32
      %select_n3A_703 = arith.select %and3A_693, %add3A_702, %select_n3A_690 : i32
      %ge3A_704 = arith.cmpi sge, %add3A_585, %add3A_174 : i32
      %lt3A_705 = arith.cmpi slt, %add3A_585, %add3A_177 : i32
      %and3A_706 = arith.andi %ge3A_704, %lt3A_705 : i1
      %add3A_707 = arith.addi %while3A_238, %while3A_239 : i32
      %mul3A_708 = arith.constant 32 : i32
      %mul3A_709 = arith.muli %add3A_707, %mul3A_708 : i32
      %add3A_710 = arith.constant 18432 : i32
      %add3A_711 = arith.addi %add3A_710, %mul3A_709 : i32
      %sub3A_712 = arith.subi %add3A_585, %add3A_174 : i32
      %mul3A_713 = arith.constant 16 : i32
      %mul3A_714 = arith.muli %sub3A_712, %mul3A_713 : i32
      %add3A_715 = arith.addi %add3A_711, %mul3A_714 : i32
      %select_n3A_716 = arith.select %and3A_706, %add3A_715, %select_n3A_703 : i32
      %ge3A_717 = arith.cmpi sge, %add3A_585, %add3A_177 : i32
      %lt3A_718 = arith.cmpi slt, %add3A_585, %add3A_180 : i32
      %and3A_719 = arith.andi %ge3A_717, %lt3A_718 : i1
      %add3A_720 = arith.addi %while3A_240, %while3A_241 : i32
      %mul3A_721 = arith.constant 32 : i32
      %mul3A_722 = arith.muli %add3A_720, %mul3A_721 : i32
      %add3A_723 = arith.constant 20480 : i32
      %add3A_724 = arith.addi %add3A_723, %mul3A_722 : i32
      %sub3A_725 = arith.subi %add3A_585, %add3A_177 : i32
      %mul3A_726 = arith.constant 16 : i32
      %mul3A_727 = arith.muli %sub3A_725, %mul3A_726 : i32
      %add3A_728 = arith.addi %add3A_724, %mul3A_727 : i32
      %select_n3A_729 = arith.select %and3A_719, %add3A_728, %select_n3A_716 : i32
      %ge3A_730 = arith.cmpi sge, %add3A_585, %add3A_180 : i32
      %lt3A_731 = arith.cmpi slt, %add3A_585, %add3A_183 : i32
      %and3A_732 = arith.andi %ge3A_730, %lt3A_731 : i1
      %add3A_733 = arith.addi %while3A_242, %while3A_243 : i32
      %mul3A_734 = arith.constant 32 : i32
      %mul3A_735 = arith.muli %add3A_733, %mul3A_734 : i32
      %add3A_736 = arith.constant 22528 : i32
      %add3A_737 = arith.addi %add3A_736, %mul3A_735 : i32
      %sub3A_738 = arith.subi %add3A_585, %add3A_180 : i32
      %mul3A_739 = arith.constant 16 : i32
      %mul3A_740 = arith.muli %sub3A_738, %mul3A_739 : i32
      %add3A_741 = arith.addi %add3A_737, %mul3A_740 : i32
      %select_n3A_742 = arith.select %and3A_732, %add3A_741, %select_n3A_729 : i32
      %ge3A_743 = arith.cmpi sge, %add3A_585, %add3A_183 : i32
      %lt3A_744 = arith.cmpi slt, %add3A_585, %add3A_186 : i32
      %and3A_745 = arith.andi %ge3A_743, %lt3A_744 : i1
      %add3A_746 = arith.addi %while3A_244, %while3A_245 : i32
      %mul3A_747 = arith.constant 32 : i32
      %mul3A_748 = arith.muli %add3A_746, %mul3A_747 : i32
      %add3A_749 = arith.constant 24576 : i32
      %add3A_750 = arith.addi %add3A_749, %mul3A_748 : i32
      %sub3A_751 = arith.subi %add3A_585, %add3A_183 : i32
      %mul3A_752 = arith.constant 16 : i32
      %mul3A_753 = arith.muli %sub3A_751, %mul3A_752 : i32
      %add3A_754 = arith.addi %add3A_750, %mul3A_753 : i32
      %select_n3A_755 = arith.select %and3A_745, %add3A_754, %select_n3A_742 : i32
      %ge3A_756 = arith.cmpi sge, %add3A_585, %add3A_186 : i32
      %lt3A_757 = arith.cmpi slt, %add3A_585, %add3A_189 : i32
      %and3A_758 = arith.andi %ge3A_756, %lt3A_757 : i1
      %add3A_759 = arith.addi %while3A_246, %while3A_247 : i32
      %mul3A_760 = arith.constant 32 : i32
      %mul3A_761 = arith.muli %add3A_759, %mul3A_760 : i32
      %add3A_762 = arith.constant 26624 : i32
      %add3A_763 = arith.addi %add3A_762, %mul3A_761 : i32
      %sub3A_764 = arith.subi %add3A_585, %add3A_186 : i32
      %mul3A_765 = arith.constant 16 : i32
      %mul3A_766 = arith.muli %sub3A_764, %mul3A_765 : i32
      %add3A_767 = arith.addi %add3A_763, %mul3A_766 : i32
      %select_n3A_768 = arith.select %and3A_758, %add3A_767, %select_n3A_755 : i32
      %ge3A_769 = arith.cmpi sge, %add3A_585, %add3A_189 : i32
      %lt3A_770 = arith.cmpi slt, %add3A_585, %add3A_192 : i32
      %and3A_771 = arith.andi %ge3A_769, %lt3A_770 : i1
      %add3A_772 = arith.addi %while3A_248, %while3A_249 : i32
      %mul3A_773 = arith.constant 32 : i32
      %mul3A_774 = arith.muli %add3A_772, %mul3A_773 : i32
      %add3A_775 = arith.constant 28672 : i32
      %add3A_776 = arith.addi %add3A_775, %mul3A_774 : i32
      %sub3A_777 = arith.subi %add3A_585, %add3A_189 : i32
      %mul3A_778 = arith.constant 16 : i32
      %mul3A_779 = arith.muli %sub3A_777, %mul3A_778 : i32
      %add3A_780 = arith.addi %add3A_776, %mul3A_779 : i32
      %select_n3A_781 = arith.select %and3A_771, %add3A_780, %select_n3A_768 : i32
      %ge3A_782 = arith.cmpi sge, %add3A_585, %add3A_192 : i32
      %lt3A_783 = arith.cmpi slt, %add3A_585, %add3A_195 : i32
      %and3A_784 = arith.andi %ge3A_782, %lt3A_783 : i1
      %add3A_785 = arith.addi %while3A_250, %while3A_251 : i32
      %mul3A_786 = arith.constant 32 : i32
      %mul3A_787 = arith.muli %add3A_785, %mul3A_786 : i32
      %add3A_788 = arith.constant 30720 : i32
      %add3A_789 = arith.addi %add3A_788, %mul3A_787 : i32
      %sub3A_790 = arith.subi %add3A_585, %add3A_192 : i32
      %mul3A_791 = arith.constant 16 : i32
      %mul3A_792 = arith.muli %sub3A_790, %mul3A_791 : i32
      %add3A_793 = arith.addi %add3A_789, %mul3A_792 : i32
      %select_n3A_794 = arith.select %and3A_784, %add3A_793, %select_n3A_781 : i32
      %multiple_of3A_795 = tpu.assume_multiple %select_n3A_794, 16 : i32
      %dma_start3A = arith.constant 0 : i32
      %dma_start3A_796 = tpu.memref_slice %arg5[%multiple_of3A_795, %dma_start3A] : memref<32768x1024xf32, #tpu.memory_space<hbm>> -> memref<16x1024xf32, #tpu.memory_space<hbm>>
      tpu.enqueue_dma source(%arg7 : memref<16x1024xf32, #tpu.memory_space<vmem_shared>>) target(%dma_start3A_796 : memref<16x1024xf32, #tpu.memory_space<hbm>>) target_semaphore(%arg11 : memref<!tpu.dma_semaphore, #tpu.memory_space<semaphore_mem>>)
    }
    %while3A_260 = arith.constant 1 : i32
    scf.for %while3A_582 = %while3A_258 to %while3A_254 step %while3A_260  : i32 {
      %mul3A_583 = arith.constant 32 : i32
      %mul3A_584 = arith.muli %while3A_582, %mul3A_583 : i32
      %add3A_585 = arith.addi %add3A, %mul3A_584 : i32
      %ge3A_586 = arith.cmpi sge, %add3A_585, %while3A_219 : i32
      %lt3A_587 = arith.cmpi slt, %add3A_585, %add3A_150 : i32
      %and3A_588 = arith.andi %ge3A_586, %lt3A_587 : i1
      %add3A_589 = arith.addi %while3A_220, %while3A_221 : i32
      %mul3A_590 = arith.constant 32 : i32
      %mul3A_591 = arith.muli %add3A_589, %mul3A_590 : i32
      %add3A_592 = arith.constant 0 : i32
      %add3A_593 = arith.addi %add3A_592, %mul3A_591 : i32
      %sub3A_594 = arith.subi %add3A_585, %while3A_219 : i32
      %mul3A_595 = arith.constant 16 : i32
      %mul3A_596 = arith.muli %sub3A_594, %mul3A_595 : i32
      %add3A_597 = arith.addi %add3A_593, %mul3A_596 : i32
      %jit3A_598 = arith.constant 0 : i32
      %select_n3A_599 = arith.select %and3A_588, %add3A_597, %jit3A_598 : i32
      %ge3A_600 = arith.cmpi sge, %add3A_585, %add3A_150 : i32
      %lt3A_601 = arith.cmpi slt, %add3A_585, %add3A_153 : i32
      %and3A_602 = arith.andi %ge3A_600, %lt3A_601 : i1
      %add3A_603 = arith.addi %while3A_222, %while3A_223 : i32
      %mul3A_604 = arith.constant 32 : i32
      %mul3A_605 = arith.muli %add3A_603, %mul3A_604 : i32
      %add3A_606 = arith.constant 2048 : i32
      %add3A_607 = arith.addi %add3A_606, %mul3A_605 : i32
      %sub3A_608 = arith.subi %add3A_585, %add3A_150 : i32
      %mul3A_609 = arith.constant 16 : i32
      %mul3A_610 = arith.muli %sub3A_608, %mul3A_609 : i32
      %add3A_611 = arith.addi %add3A_607, %mul3A_610 : i32
      %select_n3A_612 = arith.select %and3A_602, %add3A_611, %select_n3A_599 : i32
      %ge3A_613 = arith.cmpi sge, %add3A_585, %add3A_153 : i32
      %lt3A_614 = arith.cmpi slt, %add3A_585, %add3A_156 : i32
      %and3A_615 = arith.andi %ge3A_613, %lt3A_614 : i1
      %add3A_616 = arith.addi %while3A_224, %while3A_225 : i32
      %mul3A_617 = arith.constant 32 : i32
      %mul3A_618 = arith.muli %add3A_616, %mul3A_617 : i32
      %add3A_619 = arith.constant 4096 : i32
      %add3A_620 = arith.addi %add3A_619, %mul3A_618 : i32
      %sub3A_621 = arith.subi %add3A_585, %add3A_153 : i32
      %mul3A_622 = arith.constant 16 : i32
      %mul3A_623 = arith.muli %sub3A_621, %mul3A_622 : i32
      %add3A_624 = arith.addi %add3A_620, %mul3A_623 : i32
      %select_n3A_625 = arith.select %and3A_615, %add3A_624, %select_n3A_612 : i32
      %ge3A_626 = arith.cmpi sge, %add3A_585, %add3A_156 : i32
      %lt3A_627 = arith.cmpi slt, %add3A_585, %add3A_159 : i32
      %and3A_628 = arith.andi %ge3A_626, %lt3A_627 : i1
      %add3A_629 = arith.addi %while3A_226, %while3A_227 : i32
      %mul3A_630 = arith.constant 32 : i32
      %mul3A_631 = arith.muli %add3A_629, %mul3A_630 : i32
      %add3A_632 = arith.constant 6144 : i32
      %add3A_633 = arith.addi %add3A_632, %mul3A_631 : i32
      %sub3A_634 = arith.subi %add3A_585, %add3A_156 : i32
      %mul3A_635 = arith.constant 16 : i32
      %mul3A_636 = arith.muli %sub3A_634, %mul3A_635 : i32
      %add3A_637 = arith.addi %add3A_633, %mul3A_636 : i32
      %select_n3A_638 = arith.select %and3A_628, %add3A_637, %select_n3A_625 : i32
      %ge3A_639 = arith.cmpi sge, %add3A_585, %add3A_159 : i32
      %lt3A_640 = arith.cmpi slt, %add3A_585, %add3A_162 : i32
      %and3A_641 = arith.andi %ge3A_639, %lt3A_640 : i1
      %add3A_642 = arith.addi %while3A_228, %while3A_229 : i32
      %mul3A_643 = arith.constant 32 : i32
      %mul3A_644 = arith.muli %add3A_642, %mul3A_643 : i32
      %add3A_645 = arith.constant 8192 : i32
      %add3A_646 = arith.addi %add3A_645, %mul3A_644 : i32
      %sub3A_647 = arith.subi %add3A_585, %add3A_159 : i32
      %mul3A_648 = arith.constant 16 : i32
      %mul3A_649 = arith.muli %sub3A_647, %mul3A_648 : i32
      %add3A_650 = arith.addi %add3A_646, %mul3A_649 : i32
      %select_n3A_651 = arith.select %and3A_641, %add3A_650, %select_n3A_638 : i32
      %ge3A_652 = arith.cmpi sge, %add3A_585, %add3A_162 : i32
      %lt3A_653 = arith.cmpi slt, %add3A_585, %add3A_165 : i32
      %and3A_654 = arith.andi %ge3A_652, %lt3A_653 : i1
      %add3A_655 = arith.addi %while3A_230, %while3A_231 : i32
      %mul3A_656 = arith.constant 32 : i32
      %mul3A_657 = arith.muli %add3A_655, %mul3A_656 : i32
      %add3A_658 = arith.constant 10240 : i32
      %add3A_659 = arith.addi %add3A_658, %mul3A_657 : i32
      %sub3A_660 = arith.subi %add3A_585, %add3A_162 : i32
      %mul3A_661 = arith.constant 16 : i32
      %mul3A_662 = arith.muli %sub3A_660, %mul3A_661 : i32
      %add3A_663 = arith.addi %add3A_659, %mul3A_662 : i32
      %select_n3A_664 = arith.select %and3A_654, %add3A_663, %select_n3A_651 : i32
      %ge3A_665 = arith.cmpi sge, %add3A_585, %add3A_165 : i32
      %lt3A_666 = arith.cmpi slt, %add3A_585, %add3A_168 : i32
      %and3A_667 = arith.andi %ge3A_665, %lt3A_666 : i1
      %add3A_668 = arith.addi %while3A_232, %while3A_233 : i32
      %mul3A_669 = arith.constant 32 : i32
      %mul3A_670 = arith.muli %add3A_668, %mul3A_669 : i32
      %add3A_671 = arith.constant 12288 : i32
      %add3A_672 = arith.addi %add3A_671, %mul3A_670 : i32
      %sub3A_673 = arith.subi %add3A_585, %add3A_165 : i32
      %mul3A_674 = arith.constant 16 : i32
      %mul3A_675 = arith.muli %sub3A_673, %mul3A_674 : i32
      %add3A_676 = arith.addi %add3A_672, %mul3A_675 : i32
      %select_n3A_677 = arith.select %and3A_667, %add3A_676, %select_n3A_664 : i32
      %ge3A_678 = arith.cmpi sge, %add3A_585, %add3A_168 : i32
      %lt3A_679 = arith.cmpi slt, %add3A_585, %add3A_171 : i32
      %and3A_680 = arith.andi %ge3A_678, %lt3A_679 : i1
      %add3A_681 = arith.addi %while3A_234, %while3A_235 : i32
      %mul3A_682 = arith.constant 32 : i32
      %mul3A_683 = arith.muli %add3A_681, %mul3A_682 : i32
      %add3A_684 = arith.constant 14336 : i32
      %add3A_685 = arith.addi %add3A_684, %mul3A_683 : i32
      %sub3A_686 = arith.subi %add3A_585, %add3A_168 : i32
      %mul3A_687 = arith.constant 16 : i32
      %mul3A_688 = arith.muli %sub3A_686, %mul3A_687 : i32
      %add3A_689 = arith.addi %add3A_685, %mul3A_688 : i32
      %select_n3A_690 = arith.select %and3A_680, %add3A_689, %select_n3A_677 : i32
      %ge3A_691 = arith.cmpi sge, %add3A_585, %add3A_171 : i32
      %lt3A_692 = arith.cmpi slt, %add3A_585, %add3A_174 : i32
      %and3A_693 = arith.andi %ge3A_691, %lt3A_692 : i1
      %add3A_694 = arith.addi %while3A_236, %while3A_237 : i32
      %mul3A_695 = arith.constant 32 : i32
      %mul3A_696 = arith.muli %add3A_694, %mul3A_695 : i32
      %add3A_697 = arith.constant 16384 : i32
      %add3A_698 = arith.addi %add3A_697, %mul3A_696 : i32
      %sub3A_699 = arith.subi %add3A_585, %add3A_171 : i32
      %mul3A_700 = arith.constant 16 : i32
      %mul3A_701 = arith.muli %sub3A_699, %mul3A_700 : i32
      %add3A_702 = arith.addi %add3A_698, %mul3A_701 : i32
      %select_n3A_703 = arith.select %and3A_693, %add3A_702, %select_n3A_690 : i32
      %ge3A_704 = arith.cmpi sge, %add3A_585, %add3A_174 : i32
      %lt3A_705 = arith.cmpi slt, %add3A_585, %add3A_177 : i32
      %and3A_706 = arith.andi %ge3A_704, %lt3A_705 : i1
      %add3A_707 = arith.addi %while3A_238, %while3A_239 : i32
      %mul3A_708 = arith.constant 32 : i32
      %mul3A_709 = arith.muli %add3A_707, %mul3A_708 : i32
      %add3A_710 = arith.constant 18432 : i32
      %add3A_711 = arith.addi %add3A_710, %mul3A_709 : i32
      %sub3A_712 = arith.subi %add3A_585, %add3A_174 : i32
      %mul3A_713 = arith.constant 16 : i32
      %mul3A_714 = arith.muli %sub3A_712, %mul3A_713 : i32
      %add3A_715 = arith.addi %add3A_711, %mul3A_714 : i32
      %select_n3A_716 = arith.select %and3A_706, %add3A_715, %select_n3A_703 : i32
      %ge3A_717 = arith.cmpi sge, %add3A_585, %add3A_177 : i32
      %lt3A_718 = arith.cmpi slt, %add3A_585, %add3A_180 : i32
      %and3A_719 = arith.andi %ge3A_717, %lt3A_718 : i1
      %add3A_720 = arith.addi %while3A_240, %while3A_241 : i32
      %mul3A_721 = arith.constant 32 : i32
      %mul3A_722 = arith.muli %add3A_720, %mul3A_721 : i32
      %add3A_723 = arith.constant 20480 : i32
      %add3A_724 = arith.addi %add3A_723, %mul3A_722 : i32
      %sub3A_725 = arith.subi %add3A_585, %add3A_177 : i32
      %mul3A_726 = arith.constant 16 : i32
      %mul3A_727 = arith.muli %sub3A_725, %mul3A_726 : i32
      %add3A_728 = arith.addi %add3A_724, %mul3A_727 : i32
      %select_n3A_729 = arith.select %and3A_719, %add3A_728, %select_n3A_716 : i32
      %ge3A_730 = arith.cmpi sge, %add3A_585, %add3A_180 : i32
      %lt3A_731 = arith.cmpi slt, %add3A_585, %add3A_183 : i32
      %and3A_732 = arith.andi %ge3A_730, %lt3A_731 : i1
      %add3A_733 = arith.addi %while3A_242, %while3A_243 : i32
      %mul3A_734 = arith.constant 32 : i32
      %mul3A_735 = arith.muli %add3A_733, %mul3A_734 : i32
      %add3A_736 = arith.constant 22528 : i32
      %add3A_737 = arith.addi %add3A_736, %mul3A_735 : i32
      %sub3A_738 = arith.subi %add3A_585, %add3A_180 : i32
      %mul3A_739 = arith.constant 16 : i32
      %mul3A_740 = arith.muli %sub3A_738, %mul3A_739 : i32
      %add3A_741 = arith.addi %add3A_737, %mul3A_740 : i32
      %select_n3A_742 = arith.select %and3A_732, %add3A_741, %select_n3A_729 : i32
      %ge3A_743 = arith.cmpi sge, %add3A_585, %add3A_183 : i32
      %lt3A_744 = arith.cmpi slt, %add3A_585, %add3A_186 : i32
      %and3A_745 = arith.andi %ge3A_743, %lt3A_744 : i1
      %add3A_746 = arith.addi %while3A_244, %while3A_245 : i32
      %mul3A_747 = arith.constant 32 : i32
      %mul3A_748 = arith.muli %add3A_746, %mul3A_747 : i32
      %add3A_749 = arith.constant 24576 : i32
      %add3A_750 = arith.addi %add3A_749, %mul3A_748 : i32
      %sub3A_751 = arith.subi %add3A_585, %add3A_183 : i32
      %mul3A_752 = arith.constant 16 : i32
      %mul3A_753 = arith.muli %sub3A_751, %mul3A_752 : i32
      %add3A_754 = arith.addi %add3A_750, %mul3A_753 : i32
      %select_n3A_755 = arith.select %and3A_745, %add3A_754, %select_n3A_742 : i32
      %ge3A_756 = arith.cmpi sge, %add3A_585, %add3A_186 : i32
      %lt3A_757 = arith.cmpi slt, %add3A_585, %add3A_189 : i32
      %and3A_758 = arith.andi %ge3A_756, %lt3A_757 : i1
      %add3A_759 = arith.addi %while3A_246, %while3A_247 : i32
      %mul3A_760 = arith.constant 32 : i32
      %mul3A_761 = arith.muli %add3A_759, %mul3A_760 : i32
      %add3A_762 = arith.constant 26624 : i32
      %add3A_763 = arith.addi %add3A_762, %mul3A_761 : i32
      %sub3A_764 = arith.subi %add3A_585, %add3A_186 : i32
      %mul3A_765 = arith.constant 16 : i32
      %mul3A_766 = arith.muli %sub3A_764, %mul3A_765 : i32
      %add3A_767 = arith.addi %add3A_763, %mul3A_766 : i32
      %select_n3A_768 = arith.select %and3A_758, %add3A_767, %select_n3A_755 : i32
      %ge3A_769 = arith.cmpi sge, %add3A_585, %add3A_189 : i32
      %lt3A_770 = arith.cmpi slt, %add3A_585, %add3A_192 : i32
      %and3A_771 = arith.andi %ge3A_769, %lt3A_770 : i1
      %add3A_772 = arith.addi %while3A_248, %while3A_249 : i32
      %mul3A_773 = arith.constant 32 : i32
      %mul3A_774 = arith.muli %add3A_772, %mul3A_773 : i32
      %add3A_775 = arith.constant 28672 : i32
      %add3A_776 = arith.addi %add3A_775, %mul3A_774 : i32
      %sub3A_777 = arith.subi %add3A_585, %add3A_189 : i32
      %mul3A_778 = arith.constant 16 : i32
      %mul3A_779 = arith.muli %sub3A_777, %mul3A_778 : i32
      %add3A_780 = arith.addi %add3A_776, %mul3A_779 : i32
      %select_n3A_781 = arith.select %and3A_771, %add3A_780, %select_n3A_768 : i32
      %ge3A_782 = arith.cmpi sge, %add3A_585, %add3A_192 : i32
      %lt3A_783 = arith.cmpi slt, %add3A_585, %add3A_195 : i32
      %and3A_784 = arith.andi %ge3A_782, %lt3A_783 : i1
      %add3A_785 = arith.addi %while3A_250, %while3A_251 : i32
      %mul3A_786 = arith.constant 32 : i32
      %mul3A_787 = arith.muli %add3A_785, %mul3A_786 : i32
      %add3A_788 = arith.constant 30720 : i32
      %add3A_789 = arith.addi %add3A_788, %mul3A_787 : i32
      %sub3A_790 = arith.subi %add3A_585, %add3A_192 : i32
      %mul3A_791 = arith.constant 16 : i32
      %mul3A_792 = arith.muli %sub3A_790, %mul3A_791 : i32
      %add3A_793 = arith.addi %add3A_789, %mul3A_792 : i32
      %select_n3A_794 = arith.select %and3A_784, %add3A_793, %select_n3A_781 : i32
      %multiple_of3A_795 = tpu.assume_multiple %select_n3A_794, 16 : i32
      %dma_start3A = arith.constant 0 : i32
      %dma_start3A_796 = tpu.memref_slice %arg5[%multiple_of3A_795, %dma_start3A] : memref<32768x1024xf32, #tpu.memory_space<hbm>> -> memref<16x1024xf32, #tpu.memory_space<hbm>>
      tpu.enqueue_dma source(%arg7 : memref<16x1024xf32, #tpu.memory_space<vmem_shared>>) target(%dma_start3A_796 : memref<16x1024xf32, #tpu.memory_space<hbm>>) target_semaphore(%arg11 : memref<!tpu.dma_semaphore, #tpu.memory_space<semaphore_mem>>)
    }
    %eq3A_261 = arith.constant 0 : i32
    %eq3A_262 = arith.cmpi eq, %add3A, %eq3A_261 : i32
    %jit3A_263 = arith.constant 0 : i32
    %select_n3A_264 = arith.select %eq3A_262, %squeeze3A, %jit3A_263 : i32
    %eq3A_265 = arith.constant 1 : i32
    %eq3A_266 = arith.cmpi eq, %add3A, %eq3A_265 : i32
    %select_n3A_267 = arith.select %eq3A_266, %squeeze3A_6, %select_n3A_264 : i32
    %eq3A_268 = arith.constant 2 : i32
    %eq3A_269 = arith.cmpi eq, %add3A, %eq3A_268 : i32
    %select_n3A_270 = arith.select %eq3A_269, %squeeze3A_8, %select_n3A_267 : i32
    %eq3A_271 = arith.constant 3 : i32
    %eq3A_272 = arith.cmpi eq, %add3A, %eq3A_271 : i32
    %select_n3A_273 = arith.select %eq3A_272, %squeeze3A_10, %select_n3A_270 : i32
    %eq3A_274 = arith.constant 4 : i32
    %eq3A_275 = arith.cmpi eq, %add3A, %eq3A_274 : i32
    %select_n3A_276 = arith.select %eq3A_275, %squeeze3A_12, %select_n3A_273 : i32
    %eq3A_277 = arith.constant 5 : i32
    %eq3A_278 = arith.cmpi eq, %add3A, %eq3A_277 : i32
    %select_n3A_279 = arith.select %eq3A_278, %squeeze3A_14, %select_n3A_276 : i32
    %eq3A_280 = arith.constant 6 : i32
    %eq3A_281 = arith.cmpi eq, %add3A, %eq3A_280 : i32
    %select_n3A_282 = arith.select %eq3A_281, %squeeze3A_16, %select_n3A_279 : i32
    %eq3A_283 = arith.constant 7 : i32
    %eq3A_284 = arith.cmpi eq, %add3A, %eq3A_283 : i32
    %select_n3A_285 = arith.select %eq3A_284, %squeeze3A_18, %select_n3A_282 : i32
    %eq3A_286 = arith.constant 8 : i32
    %eq3A_287 = arith.cmpi eq, %add3A, %eq3A_286 : i32
    %select_n3A_288 = arith.select %eq3A_287, %squeeze3A_20, %select_n3A_285 : i32
    %eq3A_289 = arith.constant 9 : i32
    %eq3A_290 = arith.cmpi eq, %add3A, %eq3A_289 : i32
    %select_n3A_291 = arith.select %eq3A_290, %squeeze3A_22, %select_n3A_288 : i32
    %eq3A_292 = arith.constant 10 : i32
    %eq3A_293 = arith.cmpi eq, %add3A, %eq3A_292 : i32
    %select_n3A_294 = arith.select %eq3A_293, %squeeze3A_24, %select_n3A_291 : i32
    %eq3A_295 = arith.constant 11 : i32
    %eq3A_296 = arith.cmpi eq, %add3A, %eq3A_295 : i32
    %select_n3A_297 = arith.select %eq3A_296, %squeeze3A_26, %select_n3A_294 : i32
    %eq3A_298 = arith.constant 12 : i32
    %eq3A_299 = arith.cmpi eq, %add3A, %eq3A_298 : i32
    %select_n3A_300 = arith.select %eq3A_299, %squeeze3A_28, %select_n3A_297 : i32
    %eq3A_301 = arith.constant 13 : i32
    %eq3A_302 = arith.cmpi eq, %add3A, %eq3A_301 : i32
    %select_n3A_303 = arith.select %eq3A_302, %squeeze3A_30, %select_n3A_300 : i32
    %eq3A_304 = arith.constant 14 : i32
    %eq3A_305 = arith.cmpi eq, %add3A, %eq3A_304 : i32
    %select_n3A_306 = arith.select %eq3A_305, %squeeze3A_32, %select_n3A_303 : i32
    %eq3A_307 = arith.constant 15 : i32
    %eq3A_308 = arith.cmpi eq, %add3A, %eq3A_307 : i32
    %select_n3A_309 = arith.select %eq3A_308, %squeeze3A_34, %select_n3A_306 : i32
    %jit3A_310 = arith.constant 32 : i32
    %eq3A_311 = arith.constant 0 : i32
    %eq3A_312 = arith.cmpi eq, %jit3A_310, %eq3A_311 : i32
    %jit3A_313 = arith.constant 1 : i32
    %select_n3A_314 = arith.select %eq3A_312, %jit3A_313, %jit3A_310 : i32
    %rem3A_315 = arith.remsi %select_n3A_309, %select_n3A_314 : i32
    %ne3A_316 = arith.constant 0 : i32
    %ne3A_317 = arith.cmpi ne, %rem3A_315, %ne3A_316 : i32
    %lt3A = arith.constant 0 : i32
    %lt3A_318 = arith.cmpi slt, %rem3A_315, %lt3A : i32
    %lt3A_319 = arith.constant 0 : i32
    %lt3A_320 = arith.cmpi slt, %select_n3A_314, %lt3A_319 : i32
    %ne3A_321 = arith.xori %lt3A_318, %lt3A_320 : i1
    %and3A_322 = arith.andi %ne3A_321, %ne3A_317 : i1
    %add3A_323 = arith.addi %rem3A_315, %select_n3A_314 : i32
    %select_n3A_324 = arith.select %and3A_322, %add3A_323, %rem3A_315 : i32
    %ne3A_325 = arith.constant 0 : i32
    %ne3A_326 = arith.cmpi ne, %select_n3A_324, %ne3A_325 : i32
    %lt3A_327 = arith.constant 16 : i32
    %lt3A_328 = arith.cmpi slt, %add3A, %lt3A_327 : i32
    %and3A_329 = arith.andi %ne3A_326, %lt3A_328 : i1
    %mul3A_330 = arith.constant 2048 : i32
    %mul3A_331 = arith.muli %add3A, %mul3A_330 : i32
    %jit3A_332 = arith.constant 32 : i32
    %div3A_333 = arith.divsi %select_n3A_309, %jit3A_332 : i32
    %sign3A_334 = arith.constant 0 : i32
    %sign3A_335 = arith.cmpi sgt, %select_n3A_309, %sign3A_334 : i32
    %sign3A_336 = arith.extui %sign3A_335 : i1 to i32
    %sign3A_337 = arith.constant 0 : i32
    %sign3A_338 = arith.cmpi slt, %select_n3A_309, %sign3A_337 : i32
    %sign3A_339 = arith.extui %sign3A_338 : i1 to i32
    %sign3A_340 = arith.subi %sign3A_336, %sign3A_339 : i32
    %sign3A_341 = arith.constant 0 : i32
    %sign3A_342 = arith.cmpi sgt, %jit3A_332, %sign3A_341 : i32
    %sign3A_343 = arith.extui %sign3A_342 : i1 to i32
    %sign3A_344 = arith.constant 0 : i32
    %sign3A_345 = arith.cmpi slt, %jit3A_332, %sign3A_344 : i32
    %sign3A_346 = arith.extui %sign3A_345 : i1 to i32
    %sign3A_347 = arith.subi %sign3A_343, %sign3A_346 : i32
    %ne3A_348 = arith.cmpi ne, %sign3A_340, %sign3A_347 : i32
    %rem3A_349 = arith.remsi %select_n3A_309, %jit3A_332 : i32
    %ne3A_350 = arith.constant 0 : i32
    %ne3A_351 = arith.cmpi ne, %rem3A_349, %ne3A_350 : i32
    %and3A_352 = arith.andi %ne3A_348, %ne3A_351 : i1
    %sub3A_353 = arith.constant 1 : i32
    %sub3A_354 = arith.subi %div3A_333, %sub3A_353 : i32
    %select_n3A_355 = arith.select %and3A_352, %sub3A_354, %div3A_333 : i32
    %mul3A_356 = arith.constant 32 : i32
    %mul3A_357 = arith.muli %select_n3A_355, %mul3A_356 : i32
    %add3A_358 = arith.addi %mul3A_331, %mul3A_357 : i32
    %multiple_of3A = tpu.assume_multiple %add3A_358, 32 : i32
    %broadcast_in_dim3A = arith.constant -1.000000e+04 : f32
    %broadcast_in_dim3A_359 = vector.broadcast %broadcast_in_dim3A : f32 to vector<16xf32>
    %convert_element_type3A_360 = arith.extui %and3A_329 : i1 to i32
    %cond3A_361 = arith.constant 0 : i32
    %cond3A_362 = arith.cmpi ne, %convert_element_type3A_360, %cond3A_361 : i32
    scf.if %cond3A_362 {
      %run_scoped3A = arith.constant 0 : i32
      "tpu.region"() ({
        %run_scoped3A_597 = tpu.sem_alloc : memref<!tpu.dma_semaphore, #tpu.memory_space<semaphore_mem>>
        %dma_start3A = arith.constant 0 : i32
        %dma_start3A_598 = arith.constant 0 : i32
        %dma_start3A_599 = tpu.memref_slice %arg8[%run_scoped3A, %dma_start3A, %dma_start3A_598] : memref<3x32x1024xf32, #tpu.memory_space<vmem>> -> memref<1x32x1024xf32, #tpu.memory_space<vmem>>
        %dma_start3A_600 = tpu.memref_squeeze %dma_start3A_599 : memref<1x32x1024xf32, #tpu.memory_space<vmem>> -> memref<32x1024xf32, #tpu.memory_space<vmem>>
        %dma_start3A_601 = arith.constant 0 : i32
        %dma_start3A_602 = tpu.memref_slice %arg2[%multiple_of3A, %dma_start3A_601] : memref<32768x1024xf32, #tpu.memory_space<hbm>> -> memref<32x1024xf32, #tpu.memory_space<hbm>>
        %dma_start3A_603 = arith.constant 0 : i32
        %dma_start3A_604 = arith.constant 0 : i32
        %dma_start3A_605 = tpu.memref_slice %arg8[%run_scoped3A, %dma_start3A_603, %dma_start3A_604] : memref<3x32x1024xf32, #tpu.memory_space<vmem>> -> memref<1x32x1024xf32, #tpu.memory_space<vmem>>
        %dma_start3A_606 = tpu.memref_squeeze %dma_start3A_605 : memref<1x32x1024xf32, #tpu.memory_space<vmem>> -> memref<32x1024xf32, #tpu.memory_space<vmem>>
        %dma_start3A_607 = arith.constant 0 : i32
        %dma_start3A_608 = tpu.memref_slice %arg2[%multiple_of3A, %dma_start3A_607] : memref<32768x1024xf32, #tpu.memory_space<hbm>> -> memref<32x1024xf32, #tpu.memory_space<hbm>>
        tpu.enqueue_dma source(%dma_start3A_608 : memref<32x1024xf32, #tpu.memory_space<hbm>>) target(%dma_start3A_606 : memref<32x1024xf32, #tpu.memory_space<vmem>>) target_semaphore(%run_scoped3A_597 : memref<!tpu.dma_semaphore, #tpu.memory_space<semaphore_mem>>)
        %dma_wait3A = arith.constant 0 : i32
        %dma_wait3A_609 = arith.constant 0 : i32
        %dma_wait3A_610 = tpu.memref_slice %arg8[%run_scoped3A, %dma_wait3A, %dma_wait3A_609] : memref<3x32x1024xf32, #tpu.memory_space<vmem>> -> memref<1x32x1024xf32, #tpu.memory_space<vmem>>
        %dma_wait3A_611 = tpu.memref_squeeze %dma_wait3A_610 : memref<1x32x1024xf32, #tpu.memory_space<vmem>> -> memref<32x1024xf32, #tpu.memory_space<vmem>>
        %dma_wait3A_612 = arith.constant 0 : i32
        %dma_wait3A_613 = tpu.memref_slice %arg2[%multiple_of3A, %dma_wait3A_612] : memref<32768x1024xf32, #tpu.memory_space<hbm>> -> memref<32x1024xf32, #tpu.memory_space<hbm>>
        %dma_wait3A_614 = arith.constant 0 : i32
        %dma_wait3A_615 = arith.constant 0 : i32
        %dma_wait3A_616 = tpu.memref_slice %arg8[%run_scoped3A, %dma_wait3A_614, %dma_wait3A_615] : memref<3x32x1024xf32, #tpu.memory_space<vmem>> -> memref<1x32x1024xf32, #tpu.memory_space<vmem>>
        %dma_wait3A_617 = tpu.memref_squeeze %dma_wait3A_616 : memref<1x32x1024xf32, #tpu.memory_space<vmem>> -> memref<32x1024xf32, #tpu.memory_space<vmem>>
        %dma_wait3A_618 = arith.constant 0 : i32
        %dma_wait3A_619 = tpu.memref_slice %arg2[%multiple_of3A, %dma_wait3A_618] : memref<32768x1024xf32, #tpu.memory_space<hbm>> -> memref<32x1024xf32, #tpu.memory_space<hbm>>
        tpu.wait_dma2 semaphore(%run_scoped3A_597 : memref<!tpu.dma_semaphore, #tpu.memory_space<semaphore_mem>>) src(%dma_wait3A_619 : memref<32x1024xf32, #tpu.memory_space<hbm>>) dst(%dma_wait3A_617 : memref<32x1024xf32, #tpu.memory_space<vmem>>)
        tpu.yield
      }) : () -> ()
      %sub3A_582 = arith.constant 32 : i32
      %sub3A_583 = arith.subi %sub3A_582, %select_n3A_324 : i32
      %mul3A_584 = arith.constant 64 : i32
      %mul3A_585 = arith.muli %sub3A_583, %mul3A_584 : i32
      %while3A_586 = arith.constant 0 : i32
      %while3A_587 = arith.constant 0 : i32
      %while3A_588 = arith.subi %mul3A_585, %while3A_587 : i32
      %while3A_589 = arith.addi %while3A_587, %while3A_588 : i32
      %while3A_590 = arith.constant 1 : i32
      %while3A_591 = arith.divsi %while3A_588, %while3A_590 : i32
      %while3A_592 = arith.muli %while3A_591, %while3A_590 : i32
      %while3A_593 = arith.addi %while3A_587, %while3A_592 : i32
      %while3A_594 = arith.constant 1 : i32
      scf.for %while3A_597 = %while3A_587 to %while3A_593 step %while3A_594  : i32 {
        %jit3A_598 = arith.constant 64 : i32
        %div3A_599 = arith.divsi %while3A_597, %jit3A_598 : i32
        %sign3A_600 = arith.constant 0 : i32
        %sign3A_601 = arith.cmpi sgt, %while3A_597, %sign3A_600 : i32
        %sign3A_602 = arith.extui %sign3A_601 : i1 to i32
        %sign3A_603 = arith.constant 0 : i32
        %sign3A_604 = arith.cmpi slt, %while3A_597, %sign3A_603 : i32
        %sign3A_605 = arith.extui %sign3A_604 : i1 to i32
        %sign3A_606 = arith.subi %sign3A_602, %sign3A_605 : i32
        %sign3A_607 = arith.constant 0 : i32
        %sign3A_608 = arith.cmpi sgt, %jit3A_598, %sign3A_607 : i32
        %sign3A_609 = arith.extui %sign3A_608 : i1 to i32
        %sign3A_610 = arith.constant 0 : i32
        %sign3A_611 = arith.cmpi slt, %jit3A_598, %sign3A_610 : i32
        %sign3A_612 = arith.extui %sign3A_611 : i1 to i32
        %sign3A_613 = arith.subi %sign3A_609, %sign3A_612 : i32
        %ne3A_614 = arith.cmpi ne, %sign3A_606, %sign3A_613 : i32
        %rem3A_615 = arith.remsi %while3A_597, %jit3A_598 : i32
        %ne3A_616 = arith.constant 0 : i32
        %ne3A_617 = arith.cmpi ne, %rem3A_615, %ne3A_616 : i32
        %and3A_618 = arith.andi %ne3A_614, %ne3A_617 : i1
        %sub3A_619 = arith.constant 1 : i32
        %sub3A_620 = arith.subi %div3A_599, %sub3A_619 : i32
        %select_n3A_621 = arith.select %and3A_618, %sub3A_620, %div3A_599 : i32
        %add3A_622 = arith.addi %select_n3A_324, %select_n3A_621 : i32
        %jit3A_623 = arith.constant 64 : i32
        %eq3A_624 = arith.constant 0 : i32
        %eq3A_625 = arith.cmpi eq, %jit3A_623, %eq3A_624 : i32
        %jit3A_626 = arith.constant 1 : i32
        %select_n3A_627 = arith.select %eq3A_625, %jit3A_626, %jit3A_623 : i32
        %rem3A_628 = arith.remsi %while3A_597, %select_n3A_627 : i32
        %ne3A_629 = arith.constant 0 : i32
        %ne3A_630 = arith.cmpi ne, %rem3A_628, %ne3A_629 : i32
        %lt3A_631 = arith.constant 0 : i32
        %lt3A_632 = arith.cmpi slt, %rem3A_628, %lt3A_631 : i32
        %lt3A_633 = arith.constant 0 : i32
        %lt3A_634 = arith.cmpi slt, %select_n3A_627, %lt3A_633 : i32
        %ne3A_635 = arith.xori %lt3A_632, %lt3A_634 : i1
        %and3A_636 = arith.andi %ne3A_635, %ne3A_630 : i1
        %add3A_637 = arith.addi %rem3A_628, %select_n3A_627 : i32
        %select_n3A_638 = arith.select %and3A_636, %add3A_637, %rem3A_628 : i32
        %mul3A_639 = arith.constant 16 : i32
        %mul3A_640 = arith.muli %select_n3A_638, %mul3A_639 : i32
        %swap3A = arith.constant 0 : i32
        %swap3A_641 = arith.index_cast %swap3A : i32 to index
        %swap3A_642 = arith.index_cast %add3A_622 : i32 to index
        %swap3A_643 = arith.index_cast %mul3A_640 : i32 to index
        %swap3A_644 = tpu.vector_load %arg8[%swap3A_641, %swap3A_642, %swap3A_643] {strides = array<i32>} : memref<3x32x1024xf32, #tpu.memory_space<vmem>>, vector<1x1x16xf32>,
        %swap3A_645 = vector.shape_cast %swap3A_644 : vector<1x1x16xf32> to vector<16xf32>
        %swap3A_646 = vector.shape_cast %broadcast_in_dim3A_359 : vector<16xf32> to vector<1x1x16xf32>
        tpu.vector_store %arg8[%swap3A_641, %swap3A_642, %swap3A_643], %swap3A_646 {strides = array<i32>} : memref<3x32x1024xf32, #tpu.memory_space<vmem>>, vector<1x1x16xf32>,
      }
      %while3A_595 = arith.constant 1 : i32
      scf.for %while3A_597 = %while3A_593 to %while3A_589 step %while3A_595  : i32 {
        %jit3A_598 = arith.constant 64 : i32
        %div3A_599 = arith.divsi %while3A_597, %jit3A_598 : i32
        %sign3A_600 = arith.constant 0 : i32
        %sign3A_601 = arith.cmpi sgt, %while3A_597, %sign3A_600 : i32
        %sign3A_602 = arith.extui %sign3A_601 : i1 to i32
        %sign3A_603 = arith.constant 0 : i32
        %sign3A_604 = arith.cmpi slt, %while3A_597, %sign3A_603 : i32
        %sign3A_605 = arith.extui %sign3A_604 : i1 to i32
        %sign3A_606 = arith.subi %sign3A_602, %sign3A_605 : i32
        %sign3A_607 = arith.constant 0 : i32
        %sign3A_608 = arith.cmpi sgt, %jit3A_598, %sign3A_607 : i32
        %sign3A_609 = arith.extui %sign3A_608 : i1 to i32
        %sign3A_610 = arith.constant 0 : i32
        %sign3A_611 = arith.cmpi slt, %jit3A_598, %sign3A_610 : i32
        %sign3A_612 = arith.extui %sign3A_611 : i1 to i32
        %sign3A_613 = arith.subi %sign3A_609, %sign3A_612 : i32
        %ne3A_614 = arith.cmpi ne, %sign3A_606, %sign3A_613 : i32
        %rem3A_615 = arith.remsi %while3A_597, %jit3A_598 : i32
        %ne3A_616 = arith.constant 0 : i32
        %ne3A_617 = arith.cmpi ne, %rem3A_615, %ne3A_616 : i32
        %and3A_618 = arith.andi %ne3A_614, %ne3A_617 : i1
        %sub3A_619 = arith.constant 1 : i32
        %sub3A_620 = arith.subi %div3A_599, %sub3A_619 : i32
        %select_n3A_621 = arith.select %and3A_618, %sub3A_620, %div3A_599 : i32
        %add3A_622 = arith.addi %select_n3A_324, %select_n3A_621 : i32
        %jit3A_623 = arith.constant 64 : i32
        %eq3A_624 = arith.constant 0 : i32
        %eq3A_625 = arith.cmpi eq, %jit3A_623, %eq3A_624 : i32
        %jit3A_626 = arith.constant 1 : i32
        %select_n3A_627 = arith.select %eq3A_625, %jit3A_626, %jit3A_623 : i32
        %rem3A_628 = arith.remsi %while3A_597, %select_n3A_627 : i32
        %ne3A_629 = arith.constant 0 : i32
        %ne3A_630 = arith.cmpi ne, %rem3A_628, %ne3A_629 : i32
        %lt3A_631 = arith.constant 0 : i32
        %lt3A_632 = arith.cmpi slt, %rem3A_628, %lt3A_631 : i32
        %lt3A_633 = arith.constant 0 : i32
        %lt3A_634 = arith.cmpi slt, %select_n3A_627, %lt3A_633 : i32
        %ne3A_635 = arith.xori %lt3A_632, %lt3A_634 : i1
        %and3A_636 = arith.andi %ne3A_635, %ne3A_630 : i1
        %add3A_637 = arith.addi %rem3A_628, %select_n3A_627 : i32
        %select_n3A_638 = arith.select %and3A_636, %add3A_637, %rem3A_628 : i32
        %mul3A_639 = arith.constant 16 : i32
        %mul3A_640 = arith.muli %select_n3A_638, %mul3A_639 : i32
        %swap3A = arith.constant 0 : i32
        %swap3A_641 = arith.index_cast %swap3A : i32 to index
        %swap3A_642 = arith.index_cast %add3A_622 : i32 to index
        %swap3A_643 = arith.index_cast %mul3A_640 : i32 to index
        %swap3A_644 = tpu.vector_load %arg8[%swap3A_641, %swap3A_642, %swap3A_643] {strides = array<i32>} : memref<3x32x1024xf32, #tpu.memory_space<vmem>>, vector<1x1x16xf32>,
        %swap3A_645 = vector.shape_cast %swap3A_644 : vector<1x1x16xf32> to vector<16xf32>
        %swap3A_646 = vector.shape_cast %broadcast_in_dim3A_359 : vector<16xf32> to vector<1x1x16xf32>
        tpu.vector_store %arg8[%swap3A_641, %swap3A_642, %swap3A_643], %swap3A_646 {strides = array<i32>} : memref<3x32x1024xf32, #tpu.memory_space<vmem>>, vector<1x1x16xf32>,
      }
      %run_scoped3A_596 = arith.constant 0 : i32
      "tpu.region"() ({
        %run_scoped3A_597 = tpu.sem_alloc : memref<!tpu.dma_semaphore, #tpu.memory_space<semaphore_mem>>
        %dma_start3A = arith.constant 0 : i32
        %dma_start3A_598 = arith.constant 0 : i32
        %dma_start3A_599 = tpu.memref_slice %arg8[%run_scoped3A_596, %dma_start3A, %dma_start3A_598] : memref<3x32x1024xf32, #tpu.memory_space<vmem>> -> memref<1x32x1024xf32, #tpu.memory_space<vmem>>
        %dma_start3A_600 = tpu.memref_squeeze %dma_start3A_599 : memref<1x32x1024xf32, #tpu.memory_space<vmem>> -> memref<32x1024xf32, #tpu.memory_space<vmem>>
        %dma_start3A_601 = arith.constant 0 : i32
        %dma_start3A_602 = tpu.memref_slice %arg5[%multiple_of3A, %dma_start3A_601] : memref<32768x1024xf32, #tpu.memory_space<hbm>> -> memref<32x1024xf32, #tpu.memory_space<hbm>>
        %dma_start3A_603 = arith.constant 0 : i32
        %dma_start3A_604 = tpu.memref_slice %arg5[%multiple_of3A, %dma_start3A_603] : memref<32768x1024xf32, #tpu.memory_space<hbm>> -> memref<32x1024xf32, #tpu.memory_space<hbm>>
        %dma_start3A_605 = arith.constant 0 : i32
        %dma_start3A_606 = arith.constant 0 : i32
        %dma_start3A_607 = tpu.memref_slice %arg8[%run_scoped3A_596, %dma_start3A_605, %dma_start3A_606] : memref<3x32x1024xf32, #tpu.memory_space<vmem>> -> memref<1x32x1024xf32, #tpu.memory_space<vmem>>
        %dma_start3A_608 = tpu.memref_squeeze %dma_start3A_607 : memref<1x32x1024xf32, #tpu.memory_space<vmem>> -> memref<32x1024xf32, #tpu.memory_space<vmem>>
        tpu.enqueue_dma source(%dma_start3A_608 : memref<32x1024xf32, #tpu.memory_space<vmem>>) target(%dma_start3A_604 : memref<32x1024xf32, #tpu.memory_space<hbm>>) target_semaphore(%run_scoped3A_597 : memref<!tpu.dma_semaphore, #tpu.memory_space<semaphore_mem>>)
        %dma_wait3A = arith.constant 0 : i32
        %dma_wait3A_609 = arith.constant 0 : i32
        %dma_wait3A_610 = tpu.memref_slice %arg8[%run_scoped3A_596, %dma_wait3A, %dma_wait3A_609] : memref<3x32x1024xf32, #tpu.memory_space<vmem>> -> memref<1x32x1024xf32, #tpu.memory_space<vmem>>
        %dma_wait3A_611 = tpu.memref_squeeze %dma_wait3A_610 : memref<1x32x1024xf32, #tpu.memory_space<vmem>> -> memref<32x1024xf32, #tpu.memory_space<vmem>>
        %dma_wait3A_612 = arith.constant 0 : i32
        %dma_wait3A_613 = tpu.memref_slice %arg5[%multiple_of3A, %dma_wait3A_612] : memref<32768x1024xf32, #tpu.memory_space<hbm>> -> memref<32x1024xf32, #tpu.memory_space<hbm>>
        %dma_wait3A_614 = arith.constant 0 : i32
        %dma_wait3A_615 = tpu.memref_slice %arg5[%multiple_of3A, %dma_wait3A_614] : memref<32768x1024xf32, #tpu.memory_space<hbm>> -> memref<32x1024xf32, #tpu.memory_space<hbm>>
        %dma_wait3A_616 = arith.constant 0 : i32
        %dma_wait3A_617 = arith.constant 0 : i32
        %dma_wait3A_618 = tpu.memref_slice %arg8[%run_scoped3A_596, %dma_wait3A_616, %dma_wait3A_617] : memref<3x32x1024xf32, #tpu.memory_space<vmem>> -> memref<1x32x1024xf32, #tpu.memory_space<vmem>>
        %dma_wait3A_619 = tpu.memref_squeeze %dma_wait3A_618 : memref<1x32x1024xf32, #tpu.memory_space<vmem>> -> memref<32x1024xf32, #tpu.memory_space<vmem>>
        tpu.wait_dma2 semaphore(%run_scoped3A_597 : memref<!tpu.dma_semaphore, #tpu.memory_space<semaphore_mem>>) src(%dma_wait3A_619 : memref<32x1024xf32, #tpu.memory_space<vmem>>) dst(%dma_wait3A_615 : memref<32x1024xf32, #tpu.memory_space<hbm>>)
        tpu.yield
      }) : () -> ()
    } else {
    }
    %sub3A_363 = arith.subi %add3A_194, %add3A : i32
    %add3A_364 = arith.constant 32 : i32
    %add3A_365 = arith.addi %sub3A_363, %add3A_364 : i32
    %sub3A_366 = arith.constant 1 : i32
    %sub3A_367 = arith.subi %add3A_365, %sub3A_366 : i32
    %jit3A_368 = arith.constant 32 : i32
    %div3A_369 = arith.divsi %sub3A_367, %jit3A_368 : i32
    %sign3A_370 = arith.constant 0 : i32
    %sign3A_371 = arith.cmpi sgt, %sub3A_367, %sign3A_370 : i32
    %sign3A_372 = arith.extui %sign3A_371 : i1 to i32
    %sign3A_373 = arith.constant 0 : i32
    %sign3A_374 = arith.cmpi slt, %sub3A_367, %sign3A_373 : i32
    %sign3A_375 = arith.extui %sign3A_374 : i1 to i32
    %sign3A_376 = arith.subi %sign3A_372, %sign3A_375 : i32
    %sign3A_377 = arith.constant 0 : i32
    %sign3A_378 = arith.cmpi sgt, %jit3A_368, %sign3A_377 : i32
    %sign3A_379 = arith.extui %sign3A_378 : i1 to i32
    %sign3A_380 = arith.constant 0 : i32
    %sign3A_381 = arith.cmpi slt, %jit3A_368, %sign3A_380 : i32
    %sign3A_382 = arith.extui %sign3A_381 : i1 to i32
    %sign3A_383 = arith.subi %sign3A_379, %sign3A_382 : i32
    %ne3A_384 = arith.cmpi ne, %sign3A_376, %sign3A_383 : i32
    %rem3A_385 = arith.remsi %sub3A_367, %jit3A_368 : i32
    %ne3A_386 = arith.constant 0 : i32
    %ne3A_387 = arith.cmpi ne, %rem3A_385, %ne3A_386 : i32
    %and3A_388 = arith.andi %ne3A_384, %ne3A_387 : i1
    %sub3A_389 = arith.constant 1 : i32
    %sub3A_390 = arith.subi %div3A_369, %sub3A_389 : i32
    %select_n3A_391 = arith.select %and3A_388, %sub3A_390, %div3A_369 : i32
    %max3A_392 = arith.constant 0 : i32
    %max3A_393 = arith.maxsi %max3A_392, %select_n3A_391 : i32
    %ge3A = arith.constant 0 : i32
    %ge3A_394 = arith.cmpi sge, %add3A, %ge3A : i32
    %lt3A_395 = arith.cmpi slt, %add3A, %add3A_148 : i32
    %and3A_396 = arith.andi %ge3A_394, %lt3A_395 : i1
    %sub3A_397 = arith.constant 0 : i32
    %sub3A_398 = arith.subi %add3A, %sub3A_397 : i32
    %mul3A_399 = arith.constant 32 : i32
    %mul3A_400 = arith.muli %sub3A_398, %mul3A_399 : i32
    %add3A_401 = arith.constant 0 : i32
    %add3A_402 = arith.addi %add3A_401, %mul3A_400 : i32
    %jit3A_403 = arith.constant 0 : i32
    %select_n3A_404 = arith.select %and3A_396, %add3A_402, %jit3A_403 : i32
    %ge3A_405 = arith.cmpi sge, %add3A, %add3A_148 : i32
    %lt3A_406 = arith.cmpi slt, %add3A, %add3A_152 : i32
    %and3A_407 = arith.andi %ge3A_405, %lt3A_406 : i1
    %sub3A_408 = arith.subi %add3A, %add3A_148 : i32
    %mul3A_409 = arith.constant 32 : i32
    %mul3A_410 = arith.muli %sub3A_408, %mul3A_409 : i32
    %add3A_411 = arith.constant 2048 : i32
    %add3A_412 = arith.addi %add3A_411, %mul3A_410 : i32
    %select_n3A_413 = arith.select %and3A_407, %add3A_412, %select_n3A_404 : i32
    %ge3A_414 = arith.cmpi sge, %add3A, %add3A_152 : i32
    %lt3A_415 = arith.cmpi slt, %add3A, %add3A_155 : i32
    %and3A_416 = arith.andi %ge3A_414, %lt3A_415 : i1
    %sub3A_417 = arith.subi %add3A, %add3A_152 : i32
    %mul3A_418 = arith.constant 32 : i32
    %mul3A_419 = arith.muli %sub3A_417, %mul3A_418 : i32
    %add3A_420 = arith.constant 4096 : i32
    %add3A_421 = arith.addi %add3A_420, %mul3A_419 : i32
    %select_n3A_422 = arith.select %and3A_416, %add3A_421, %select_n3A_413 : i32
    %ge3A_423 = arith.cmpi sge, %add3A, %add3A_155 : i32
    %lt3A_424 = arith.cmpi slt, %add3A, %add3A_158 : i32
    %and3A_425 = arith.andi %ge3A_423, %lt3A_424 : i1
    %sub3A_426 = arith.subi %add3A, %add3A_155 : i32
    %mul3A_427 = arith.constant 32 : i32
    %mul3A_428 = arith.muli %sub3A_426, %mul3A_427 : i32
    %add3A_429 = arith.constant 6144 : i32
    %add3A_430 = arith.addi %add3A_429, %mul3A_428 : i32
    %select_n3A_431 = arith.select %and3A_425, %add3A_430, %select_n3A_422 : i32
    %ge3A_432 = arith.cmpi sge, %add3A, %add3A_158 : i32
    %lt3A_433 = arith.cmpi slt, %add3A, %add3A_161 : i32
    %and3A_434 = arith.andi %ge3A_432, %lt3A_433 : i1
    %sub3A_435 = arith.subi %add3A, %add3A_158 : i32
    %mul3A_436 = arith.constant 32 : i32
    %mul3A_437 = arith.muli %sub3A_435, %mul3A_436 : i32
    %add3A_438 = arith.constant 8192 : i32
    %add3A_439 = arith.addi %add3A_438, %mul3A_437 : i32
    %select_n3A_440 = arith.select %and3A_434, %add3A_439, %select_n3A_431 : i32
    %ge3A_441 = arith.cmpi sge, %add3A, %add3A_161 : i32
    %lt3A_442 = arith.cmpi slt, %add3A, %add3A_164 : i32
    %and3A_443 = arith.andi %ge3A_441, %lt3A_442 : i1
    %sub3A_444 = arith.subi %add3A, %add3A_161 : i32
    %mul3A_445 = arith.constant 32 : i32
    %mul3A_446 = arith.muli %sub3A_444, %mul3A_445 : i32
    %add3A_447 = arith.constant 10240 : i32
    %add3A_448 = arith.addi %add3A_447, %mul3A_446 : i32
    %select_n3A_449 = arith.select %and3A_443, %add3A_448, %select_n3A_440 : i32
    %ge3A_450 = arith.cmpi sge, %add3A, %add3A_164 : i32
    %lt3A_451 = arith.cmpi slt, %add3A, %add3A_167 : i32
    %and3A_452 = arith.andi %ge3A_450, %lt3A_451 : i1
    %sub3A_453 = arith.subi %add3A, %add3A_164 : i32
    %mul3A_454 = arith.constant 32 : i32
    %mul3A_455 = arith.muli %sub3A_453, %mul3A_454 : i32
    %add3A_456 = arith.constant 12288 : i32
    %add3A_457 = arith.addi %add3A_456, %mul3A_455 : i32
    %select_n3A_458 = arith.select %and3A_452, %add3A_457, %select_n3A_449 : i32
    %ge3A_459 = arith.cmpi sge, %add3A, %add3A_167 : i32
    %lt3A_460 = arith.cmpi slt, %add3A, %add3A_170 : i32
    %and3A_461 = arith.andi %ge3A_459, %lt3A_460 : i1
    %sub3A_462 = arith.subi %add3A, %add3A_167 : i32
    %mul3A_463 = arith.constant 32 : i32
    %mul3A_464 = arith.muli %sub3A_462, %mul3A_463 : i32
    %add3A_465 = arith.constant 14336 : i32
    %add3A_466 = arith.addi %add3A_465, %mul3A_464 : i32
    %select_n3A_467 = arith.select %and3A_461, %add3A_466, %select_n3A_458 : i32
    %ge3A_468 = arith.cmpi sge, %add3A, %add3A_170 : i32
    %lt3A_469 = arith.cmpi slt, %add3A, %add3A_173 : i32
    %and3A_470 = arith.andi %ge3A_468, %lt3A_469 : i1
    %sub3A_471 = arith.subi %add3A, %add3A_170 : i32
    %mul3A_472 = arith.constant 32 : i32
    %mul3A_473 = arith.muli %sub3A_471, %mul3A_472 : i32
    %add3A_474 = arith.constant 16384 : i32
    %add3A_475 = arith.addi %add3A_474, %mul3A_473 : i32
    %select_n3A_476 = arith.select %and3A_470, %add3A_475, %select_n3A_467 : i32
    %ge3A_477 = arith.cmpi sge, %add3A, %add3A_173 : i32
    %lt3A_478 = arith.cmpi slt, %add3A, %add3A_176 : i32
    %and3A_479 = arith.andi %ge3A_477, %lt3A_478 : i1
    %sub3A_480 = arith.subi %add3A, %add3A_173 : i32
    %mul3A_481 = arith.constant 32 : i32
    %mul3A_482 = arith.muli %sub3A_480, %mul3A_481 : i32
    %add3A_483 = arith.constant 18432 : i32
    %add3A_484 = arith.addi %add3A_483, %mul3A_482 : i32
    %select_n3A_485 = arith.select %and3A_479, %add3A_484, %select_n3A_476 : i32
    %ge3A_486 = arith.cmpi sge, %add3A, %add3A_176 : i32
    %lt3A_487 = arith.cmpi slt, %add3A, %add3A_179 : i32
    %and3A_488 = arith.andi %ge3A_486, %lt3A_487 : i1
    %sub3A_489 = arith.subi %add3A, %add3A_176 : i32
    %mul3A_490 = arith.constant 32 : i32
    %mul3A_491 = arith.muli %sub3A_489, %mul3A_490 : i32
    %add3A_492 = arith.constant 20480 : i32
    %add3A_493 = arith.addi %add3A_492, %mul3A_491 : i32
    %select_n3A_494 = arith.select %and3A_488, %add3A_493, %select_n3A_485 : i32
    %ge3A_495 = arith.cmpi sge, %add3A, %add3A_179 : i32
    %lt3A_496 = arith.cmpi slt, %add3A, %add3A_182 : i32
    %and3A_497 = arith.andi %ge3A_495, %lt3A_496 : i1
    %sub3A_498 = arith.subi %add3A, %add3A_179 : i32
    %mul3A_499 = arith.constant 32 : i32
    %mul3A_500 = arith.muli %sub3A_498, %mul3A_499 : i32
    %add3A_501 = arith.constant 22528 : i32
    %add3A_502 = arith.addi %add3A_501, %mul3A_500 : i32
    %select_n3A_503 = arith.select %and3A_497, %add3A_502, %select_n3A_494 : i32
    %ge3A_504 = arith.cmpi sge, %add3A, %add3A_182 : i32
    %lt3A_505 = arith.cmpi slt, %add3A, %add3A_185 : i32
    %and3A_506 = arith.andi %ge3A_504, %lt3A_505 : i1
    %sub3A_507 = arith.subi %add3A, %add3A_182 : i32
    %mul3A_508 = arith.constant 32 : i32
    %mul3A_509 = arith.muli %sub3A_507, %mul3A_508 : i32
    %add3A_510 = arith.constant 24576 : i32
    %add3A_511 = arith.addi %add3A_510, %mul3A_509 : i32
    %select_n3A_512 = arith.select %and3A_506, %add3A_511, %select_n3A_503 : i32
    %ge3A_513 = arith.cmpi sge, %add3A, %add3A_185 : i32
    %lt3A_514 = arith.cmpi slt, %add3A, %add3A_188 : i32
    %and3A_515 = arith.andi %ge3A_513, %lt3A_514 : i1
    %sub3A_516 = arith.subi %add3A, %add3A_185 : i32
    %mul3A_517 = arith.constant 32 : i32
    %mul3A_518 = arith.muli %sub3A_516, %mul3A_517 : i32
    %add3A_519 = arith.constant 26624 : i32
    %add3A_520 = arith.addi %add3A_519, %mul3A_518 : i32
    %select_n3A_521 = arith.select %and3A_515, %add3A_520, %select_n3A_512 : i32
    %ge3A_522 = arith.cmpi sge, %add3A, %add3A_188 : i32
    %lt3A_523 = arith.cmpi slt, %add3A, %add3A_191 : i32
    %and3A_524 = arith.andi %ge3A_522, %lt3A_523 : i1
    %sub3A_525 = arith.subi %add3A, %add3A_188 : i32
    %mul3A_526 = arith.constant 32 : i32
    %mul3A_527 = arith.muli %sub3A_525, %mul3A_526 : i32
    %add3A_528 = arith.constant 28672 : i32
    %add3A_529 = arith.addi %add3A_528, %mul3A_527 : i32
    %select_n3A_530 = arith.select %and3A_524, %add3A_529, %select_n3A_521 : i32
    %ge3A_531 = arith.cmpi sge, %add3A, %add3A_191 : i32
    %lt3A_532 = arith.cmpi slt, %add3A, %add3A_194 : i32
    %and3A_533 = arith.andi %ge3A_531, %lt3A_532 : i1
    %sub3A_534 = arith.subi %add3A, %add3A_191 : i32
    %mul3A_535 = arith.constant 32 : i32
    %mul3A_536 = arith.muli %sub3A_534, %mul3A_535 : i32
    %add3A_537 = arith.constant 30720 : i32
    %add3A_538 = arith.addi %add3A_537, %mul3A_536 : i32
    %select_n3A_539 = arith.select %and3A_533, %add3A_538, %select_n3A_530 : i32
    %multiple_of3A_540 = tpu.assume_multiple %select_n3A_539, 32 : i32
    %gt3A = arith.constant 0 : i32
    %gt3A_541 = arith.cmpi sgt, %max3A_393, %gt3A : i32
    %convert_element_type3A_542 = arith.extui %gt3A_541 : i1 to i32
    %cond3A_543 = arith.constant 0 : i32
    %cond3A_544 = arith.cmpi ne, %convert_element_type3A_542, %cond3A_543 : i32
    scf.if %cond3A_544 {
      %dma_start3A = arith.constant 0 : i32
      %dma_start3A_582 = arith.constant 0 : i32
      %dma_start3A_583 = arith.constant 0 : i32
      %dma_start3A_584 = arith.constant 0 : i32
      %dma_start3A_585 = tpu.memref_slice %arg8[%dma_start3A, %dma_start3A_583, %dma_start3A_584] : memref<3x32x1024xf32, #tpu.memory_space<vmem>> -> memref<1x32x1024xf32, #tpu.memory_space<vmem>>
      %dma_start3A_586 = tpu.memref_squeeze %dma_start3A_585 : memref<1x32x1024xf32, #tpu.memory_space<vmem>> -> memref<32x1024xf32, #tpu.memory_space<vmem>>
      %dma_start3A_587 = arith.constant 0 : i32
      %dma_start3A_588 = tpu.memref_slice %arg2[%multiple_of3A_540, %dma_start3A_587] : memref<32768x1024xf32, #tpu.memory_space<hbm>> -> memref<32x1024xf32, #tpu.memory_space<hbm>>
      %dma_start3A_589 = tpu.memref_slice %arg9[%dma_start3A_582] : memref<3x!tpu.dma_semaphore, #tpu.memory_space<semaphore_mem>> -> memref<1x!tpu.dma_semaphore, #tpu.memory_space<semaphore_mem>>
      %dma_start3A_590 = tpu.memref_squeeze %dma_start3A_589 : memref<1x!tpu.dma_semaphore, #tpu.memory_space<semaphore_mem>> -> memref<!tpu.dma_semaphore, #tpu.memory_space<semaphore_mem>>
      %dma_start3A_591 = arith.constant 0 : i32
      %dma_start3A_592 = arith.constant 0 : i32
      %dma_start3A_593 = tpu.memref_slice %arg8[%dma_start3A, %dma_start3A_591, %dma_start3A_592] : memref<3x32x1024xf32, #tpu.memory_space<vmem>> -> memref<1x32x1024xf32, #tpu.memory_space<vmem>>
      %dma_start3A_594 = tpu.memref_squeeze %dma_start3A_593 : memref<1x32x1024xf32, #tpu.memory_space<vmem>> -> memref<32x1024xf32, #tpu.memory_space<vmem>>
      %dma_start3A_595 = arith.constant 0 : i32
      %dma_start3A_596 = tpu.memref_slice %arg2[%multiple_of3A_540, %dma_start3A_595] : memref<32768x1024xf32, #tpu.memory_space<hbm>> -> memref<32x1024xf32, #tpu.memory_space<hbm>>
      tpu.enqueue_dma source(%dma_start3A_596 : memref<32x1024xf32, #tpu.memory_space<hbm>>) target(%dma_start3A_594 : memref<32x1024xf32, #tpu.memory_space<vmem>>) target_semaphore(%dma_start3A_590 : memref<!tpu.dma_semaphore, #tpu.memory_space<semaphore_mem>>)
    } else {
    }
    %while3A_545 = arith.constant 0 : i32
    %while3A_546 = arith.constant 0 : i32
    %while3A_547 = arith.subi %max3A_393, %while3A_546 : i32
    %while3A_548 = arith.addi %while3A_546, %while3A_547 : i32
    %while3A_549 = arith.constant 1 : i32
    %while3A_550 = arith.divsi %while3A_547, %while3A_549 : i32
    %while3A_551 = arith.muli %while3A_550, %while3A_549 : i32
    %while3A_552 = arith.addi %while3A_546, %while3A_551 : i32
    %while3A_553 = arith.constant 1 : i32
    %while3A_554 = scf.for %while3A_582 = %while3A_546 to %while3A_552 step %while3A_553 iter_args(%while3A_583 = %multiple_of3A_540) -> (i32)  : i32 {
      %multiple_of3A_584 = tpu.assume_multiple %while3A_583, 32 : i32
      %rem3A_585 = arith.constant 3 : i32
      %rem3A_586 = arith.remsi %while3A_582, %rem3A_585 : i32
      %dma_wait3A = arith.constant 0 : i32
      %dma_wait3A_587 = arith.constant 0 : i32
      %dma_wait3A_588 = tpu.memref_slice %arg8[%rem3A_586, %dma_wait3A, %dma_wait3A_587] : memref<3x32x1024xf32, #tpu.memory_space<vmem>> -> memref<1x32x1024xf32, #tpu.memory_space<vmem>>
      %dma_wait3A_589 = tpu.memref_squeeze %dma_wait3A_588 : memref<1x32x1024xf32, #tpu.memory_space<vmem>> -> memref<32x1024xf32, #tpu.memory_space<vmem>>
      %dma_wait3A_590 = arith.constant 0 : i32
      %dma_wait3A_591 = tpu.memref_slice %arg2[%multiple_of3A_584, %dma_wait3A_590] : memref<32768x1024xf32, #tpu.memory_space<hbm>> -> memref<32x1024xf32, #tpu.memory_space<hbm>>
      %dma_wait3A_592 = tpu.memref_slice %arg9[%rem3A_586] : memref<3x!tpu.dma_semaphore, #tpu.memory_space<semaphore_mem>> -> memref<1x!tpu.dma_semaphore, #tpu.memory_space<semaphore_mem>>
      %dma_wait3A_593 = tpu.memref_squeeze %dma_wait3A_592 : memref<1x!tpu.dma_semaphore, #tpu.memory_space<semaphore_mem>> -> memref<!tpu.dma_semaphore, #tpu.memory_space<semaphore_mem>>
      %dma_wait3A_594 = arith.constant 0 : i32
      %dma_wait3A_595 = arith.constant 0 : i32
      %dma_wait3A_596 = tpu.memref_slice %arg8[%rem3A_586, %dma_wait3A_594, %dma_wait3A_595] : memref<3x32x1024xf32, #tpu.memory_space<vmem>> -> memref<1x32x1024xf32, #tpu.memory_space<vmem>>
      %dma_wait3A_597 = tpu.memref_squeeze %dma_wait3A_596 : memref<1x32x1024xf32, #tpu.memory_space<vmem>> -> memref<32x1024xf32, #tpu.memory_space<vmem>>
      %dma_wait3A_598 = arith.constant 0 : i32
      %dma_wait3A_599 = tpu.memref_slice %arg2[%multiple_of3A_584, %dma_wait3A_598] : memref<32768x1024xf32, #tpu.memory_space<hbm>> -> memref<32x1024xf32, #tpu.memory_space<hbm>>
      tpu.wait_dma2 semaphore(%dma_wait3A_593 : memref<!tpu.dma_semaphore, #tpu.memory_space<semaphore_mem>>) src(%dma_wait3A_599 : memref<32x1024xf32, #tpu.memory_space<hbm>>) dst(%dma_wait3A_597 : memref<32x1024xf32, #tpu.memory_space<vmem>>)
      %dma_start3A = arith.constant 0 : i32
      %dma_start3A_600 = arith.constant 0 : i32
      %dma_start3A_601 = tpu.memref_slice %arg8[%rem3A_586, %dma_start3A, %dma_start3A_600] : memref<3x32x1024xf32, #tpu.memory_space<vmem>> -> memref<1x32x1024xf32, #tpu.memory_space<vmem>>
      %dma_start3A_602 = tpu.memref_squeeze %dma_start3A_601 : memref<1x32x1024xf32, #tpu.memory_space<vmem>> -> memref<32x1024xf32, #tpu.memory_space<vmem>>
      %dma_start3A_603 = arith.constant 0 : i32
      %dma_start3A_604 = tpu.memref_slice %arg5[%multiple_of3A_584, %dma_start3A_603] : memref<32768x1024xf32, #tpu.memory_space<hbm>> -> memref<32x1024xf32, #tpu.memory_space<hbm>>
      %dma_start3A_605 = tpu.memref_slice %arg10[%rem3A_586] : memref<3x!tpu.dma_semaphore, #tpu.memory_space<semaphore_mem>> -> memref<1x!tpu.dma_semaphore, #tpu.memory_space<semaphore_mem>>
      %dma_start3A_606 = tpu.memref_squeeze %dma_start3A_605 : memref<1x!tpu.dma_semaphore, #tpu.memory_space<semaphore_mem>> -> memref<!tpu.dma_semaphore, #tpu.memory_space<semaphore_mem>>
      %dma_start3A_607 = arith.constant 0 : i32
      %dma_start3A_608 = tpu.memref_slice %arg5[%multiple_of3A_584, %dma_start3A_607] : memref<32768x1024xf32, #tpu.memory_space<hbm>> -> memref<32x1024xf32, #tpu.memory_space<hbm>>
      %dma_start3A_609 = arith.constant 0 : i32
      %dma_start3A_610 = arith.constant 0 : i32
      %dma_start3A_611 = tpu.memref_slice %arg8[%rem3A_586, %dma_start3A_609, %dma_start3A_610] : memref<3x32x1024xf32, #tpu.memory_space<vmem>> -> memref<1x32x1024xf32, #tpu.memory_space<vmem>>
      %dma_start3A_612 = tpu.memref_squeeze %dma_start3A_611 : memref<1x32x1024xf32, #tpu.memory_space<vmem>> -> memref<32x1024xf32, #tpu.memory_space<vmem>>
      tpu.enqueue_dma source(%dma_start3A_612 : memref<32x1024xf32, #tpu.memory_space<vmem>>) target(%dma_start3A_608 : memref<32x1024xf32, #tpu.memory_space<hbm>>) target_semaphore(%dma_start3A_606 : memref<!tpu.dma_semaphore, #tpu.memory_space<semaphore_mem>>)
      %add3A_613 = arith.constant 1 : i32
      %add3A_614 = arith.addi %while3A_582, %add3A_613 : i32
      %mul3A_615 = arith.constant 32 : i32
      %mul3A_616 = arith.muli %add3A_614, %mul3A_615 : i32
      %add3A_617 = arith.addi %add3A, %mul3A_616 : i32
      %ge3A_618 = arith.cmpi sge, %add3A_617, %while3A_545 : i32
      %lt3A_619 = arith.cmpi slt, %add3A_617, %add3A_148 : i32
      %and3A_620 = arith.andi %ge3A_618, %lt3A_619 : i1
      %sub3A_621 = arith.subi %add3A_617, %while3A_545 : i32
      %mul3A_622 = arith.constant 32 : i32
      %mul3A_623 = arith.muli %sub3A_621, %mul3A_622 : i32
      %add3A_624 = arith.constant 0 : i32
      %add3A_625 = arith.addi %add3A_624, %mul3A_623 : i32
      %jit3A_626 = arith.constant 0 : i32
      %select_n3A_627 = arith.select %and3A_620, %add3A_625, %jit3A_626 : i32
      %ge3A_628 = arith.cmpi sge, %add3A_617, %add3A_148 : i32
      %lt3A_629 = arith.cmpi slt, %add3A_617, %add3A_152 : i32
      %and3A_630 = arith.andi %ge3A_628, %lt3A_629 : i1
      %sub3A_631 = arith.subi %add3A_617, %add3A_148 : i32
      %mul3A_632 = arith.constant 32 : i32
      %mul3A_633 = arith.muli %sub3A_631, %mul3A_632 : i32
      %add3A_634 = arith.constant 2048 : i32
      %add3A_635 = arith.addi %add3A_634, %mul3A_633 : i32
      %select_n3A_636 = arith.select %and3A_630, %add3A_635, %select_n3A_627 : i32
      %ge3A_637 = arith.cmpi sge, %add3A_617, %add3A_152 : i32
      %lt3A_638 = arith.cmpi slt, %add3A_617, %add3A_155 : i32
      %and3A_639 = arith.andi %ge3A_637, %lt3A_638 : i1
      %sub3A_640 = arith.subi %add3A_617, %add3A_152 : i32
      %mul3A_641 = arith.constant 32 : i32
      %mul3A_642 = arith.muli %sub3A_640, %mul3A_641 : i32
      %add3A_643 = arith.constant 4096 : i32
      %add3A_644 = arith.addi %add3A_643, %mul3A_642 : i32
      %select_n3A_645 = arith.select %and3A_639, %add3A_644, %select_n3A_636 : i32
      %ge3A_646 = arith.cmpi sge, %add3A_617, %add3A_155 : i32
      %lt3A_647 = arith.cmpi slt, %add3A_617, %add3A_158 : i32
      %and3A_648 = arith.andi %ge3A_646, %lt3A_647 : i1
      %sub3A_649 = arith.subi %add3A_617, %add3A_155 : i32
      %mul3A_650 = arith.constant 32 : i32
      %mul3A_651 = arith.muli %sub3A_649, %mul3A_650 : i32
      %add3A_652 = arith.constant 6144 : i32
      %add3A_653 = arith.addi %add3A_652, %mul3A_651 : i32
      %select_n3A_654 = arith.select %and3A_648, %add3A_653, %select_n3A_645 : i32
      %ge3A_655 = arith.cmpi sge, %add3A_617, %add3A_158 : i32
      %lt3A_656 = arith.cmpi slt, %add3A_617, %add3A_161 : i32
      %and3A_657 = arith.andi %ge3A_655, %lt3A_656 : i1
      %sub3A_658 = arith.subi %add3A_617, %add3A_158 : i32
      %mul3A_659 = arith.constant 32 : i32
      %mul3A_660 = arith.muli %sub3A_658, %mul3A_659 : i32
      %add3A_661 = arith.constant 8192 : i32
      %add3A_662 = arith.addi %add3A_661, %mul3A_660 : i32
      %select_n3A_663 = arith.select %and3A_657, %add3A_662, %select_n3A_654 : i32
      %ge3A_664 = arith.cmpi sge, %add3A_617, %add3A_161 : i32
      %lt3A_665 = arith.cmpi slt, %add3A_617, %add3A_164 : i32
      %and3A_666 = arith.andi %ge3A_664, %lt3A_665 : i1
      %sub3A_667 = arith.subi %add3A_617, %add3A_161 : i32
      %mul3A_668 = arith.constant 32 : i32
      %mul3A_669 = arith.muli %sub3A_667, %mul3A_668 : i32
      %add3A_670 = arith.constant 10240 : i32
      %add3A_671 = arith.addi %add3A_670, %mul3A_669 : i32
      %select_n3A_672 = arith.select %and3A_666, %add3A_671, %select_n3A_663 : i32
      %ge3A_673 = arith.cmpi sge, %add3A_617, %add3A_164 : i32
      %lt3A_674 = arith.cmpi slt, %add3A_617, %add3A_167 : i32
      %and3A_675 = arith.andi %ge3A_673, %lt3A_674 : i1
      %sub3A_676 = arith.subi %add3A_617, %add3A_164 : i32
      %mul3A_677 = arith.constant 32 : i32
      %mul3A_678 = arith.muli %sub3A_676, %mul3A_677 : i32
      %add3A_679 = arith.constant 12288 : i32
      %add3A_680 = arith.addi %add3A_679, %mul3A_678 : i32
      %select_n3A_681 = arith.select %and3A_675, %add3A_680, %select_n3A_672 : i32
      %ge3A_682 = arith.cmpi sge, %add3A_617, %add3A_167 : i32
      %lt3A_683 = arith.cmpi slt, %add3A_617, %add3A_170 : i32
      %and3A_684 = arith.andi %ge3A_682, %lt3A_683 : i1
      %sub3A_685 = arith.subi %add3A_617, %add3A_167 : i32
      %mul3A_686 = arith.constant 32 : i32
      %mul3A_687 = arith.muli %sub3A_685, %mul3A_686 : i32
      %add3A_688 = arith.constant 14336 : i32
      %add3A_689 = arith.addi %add3A_688, %mul3A_687 : i32
      %select_n3A_690 = arith.select %and3A_684, %add3A_689, %select_n3A_681 : i32
      %ge3A_691 = arith.cmpi sge, %add3A_617, %add3A_170 : i32
      %lt3A_692 = arith.cmpi slt, %add3A_617, %add3A_173 : i32
      %and3A_693 = arith.andi %ge3A_691, %lt3A_692 : i1
      %sub3A_694 = arith.subi %add3A_617, %add3A_170 : i32
      %mul3A_695 = arith.constant 32 : i32
      %mul3A_696 = arith.muli %sub3A_694, %mul3A_695 : i32
      %add3A_697 = arith.constant 16384 : i32
      %add3A_698 = arith.addi %add3A_697, %mul3A_696 : i32
      %select_n3A_699 = arith.select %and3A_693, %add3A_698, %select_n3A_690 : i32
      %ge3A_700 = arith.cmpi sge, %add3A_617, %add3A_173 : i32
      %lt3A_701 = arith.cmpi slt, %add3A_617, %add3A_176 : i32
      %and3A_702 = arith.andi %ge3A_700, %lt3A_701 : i1
      %sub3A_703 = arith.subi %add3A_617, %add3A_173 : i32
      %mul3A_704 = arith.constant 32 : i32
      %mul3A_705 = arith.muli %sub3A_703, %mul3A_704 : i32
      %add3A_706 = arith.constant 18432 : i32
      %add3A_707 = arith.addi %add3A_706, %mul3A_705 : i32
      %select_n3A_708 = arith.select %and3A_702, %add3A_707, %select_n3A_699 : i32
      %ge3A_709 = arith.cmpi sge, %add3A_617, %add3A_176 : i32
      %lt3A_710 = arith.cmpi slt, %add3A_617, %add3A_179 : i32
      %and3A_711 = arith.andi %ge3A_709, %lt3A_710 : i1
      %sub3A_712 = arith.subi %add3A_617, %add3A_176 : i32
      %mul3A_713 = arith.constant 32 : i32
      %mul3A_714 = arith.muli %sub3A_712, %mul3A_713 : i32
      %add3A_715 = arith.constant 20480 : i32
      %add3A_716 = arith.addi %add3A_715, %mul3A_714 : i32
      %select_n3A_717 = arith.select %and3A_711, %add3A_716, %select_n3A_708 : i32
      %ge3A_718 = arith.cmpi sge, %add3A_617, %add3A_179 : i32
      %lt3A_719 = arith.cmpi slt, %add3A_617, %add3A_182 : i32
      %and3A_720 = arith.andi %ge3A_718, %lt3A_719 : i1
      %sub3A_721 = arith.subi %add3A_617, %add3A_179 : i32
      %mul3A_722 = arith.constant 32 : i32
      %mul3A_723 = arith.muli %sub3A_721, %mul3A_722 : i32
      %add3A_724 = arith.constant 22528 : i32
      %add3A_725 = arith.addi %add3A_724, %mul3A_723 : i32
      %select_n3A_726 = arith.select %and3A_720, %add3A_725, %select_n3A_717 : i32
      %ge3A_727 = arith.cmpi sge, %add3A_617, %add3A_182 : i32
      %lt3A_728 = arith.cmpi slt, %add3A_617, %add3A_185 : i32
      %and3A_729 = arith.andi %ge3A_727, %lt3A_728 : i1
      %sub3A_730 = arith.subi %add3A_617, %add3A_182 : i32
      %mul3A_731 = arith.constant 32 : i32
      %mul3A_732 = arith.muli %sub3A_730, %mul3A_731 : i32
      %add3A_733 = arith.constant 24576 : i32
      %add3A_734 = arith.addi %add3A_733, %mul3A_732 : i32
      %select_n3A_735 = arith.select %and3A_729, %add3A_734, %select_n3A_726 : i32
      %ge3A_736 = arith.cmpi sge, %add3A_617, %add3A_185 : i32
      %lt3A_737 = arith.cmpi slt, %add3A_617, %add3A_188 : i32
      %and3A_738 = arith.andi %ge3A_736, %lt3A_737 : i1
      %sub3A_739 = arith.subi %add3A_617, %add3A_185 : i32
      %mul3A_740 = arith.constant 32 : i32
      %mul3A_741 = arith.muli %sub3A_739, %mul3A_740 : i32
      %add3A_742 = arith.constant 26624 : i32
      %add3A_743 = arith.addi %add3A_742, %mul3A_741 : i32
      %select_n3A_744 = arith.select %and3A_738, %add3A_743, %select_n3A_735 : i32
      %ge3A_745 = arith.cmpi sge, %add3A_617, %add3A_188 : i32
      %lt3A_746 = arith.cmpi slt, %add3A_617, %add3A_191 : i32
      %and3A_747 = arith.andi %ge3A_745, %lt3A_746 : i1
      %sub3A_748 = arith.subi %add3A_617, %add3A_188 : i32
      %mul3A_749 = arith.constant 32 : i32
      %mul3A_750 = arith.muli %sub3A_748, %mul3A_749 : i32
      %add3A_751 = arith.constant 28672 : i32
      %add3A_752 = arith.addi %add3A_751, %mul3A_750 : i32
      %select_n3A_753 = arith.select %and3A_747, %add3A_752, %select_n3A_744 : i32
      %ge3A_754 = arith.cmpi sge, %add3A_617, %add3A_191 : i32
      %lt3A_755 = arith.cmpi slt, %add3A_617, %add3A_194 : i32
      %and3A_756 = arith.andi %ge3A_754, %lt3A_755 : i1
      %sub3A_757 = arith.subi %add3A_617, %add3A_191 : i32
      %mul3A_758 = arith.constant 32 : i32
      %mul3A_759 = arith.muli %sub3A_757, %mul3A_758 : i32
      %add3A_760 = arith.constant 30720 : i32
      %add3A_761 = arith.addi %add3A_760, %mul3A_759 : i32
      %select_n3A_762 = arith.select %and3A_756, %add3A_761, %select_n3A_753 : i32
      %multiple_of3A_763 = tpu.assume_multiple %select_n3A_762, 32 : i32
      %add3A_764 = arith.constant 1 : i32
      %add3A_765 = arith.addi %while3A_582, %add3A_764 : i32
      %lt3A_766 = arith.cmpi slt, %add3A_765, %max3A_393 : i32
      %convert_element_type3A_767 = arith.extui %lt3A_766 : i1 to i32
      %cond3A_768 = arith.constant 0 : i32
      %cond3A_769 = arith.cmpi ne, %convert_element_type3A_767, %cond3A_768 : i32
      scf.if %cond3A_769 {
        %ge3A_770 = arith.constant 2 : i32
        %ge3A_771 = arith.cmpi sge, %while3A_582, %ge3A_770 : i32
        %convert_element_type3A_772 = arith.extui %ge3A_771 : i1 to i32
        %cond3A_773 = arith.constant 0 : i32
        %cond3A_774 = arith.cmpi ne, %convert_element_type3A_772, %cond3A_773 : i32
        scf.if %cond3A_774 {
          %add3A_793 = arith.constant 1 : i32
          %add3A_794 = arith.addi %while3A_582, %add3A_793 : i32
          %rem3A_795 = arith.constant 3 : i32
          %rem3A_796 = arith.remsi %add3A_794, %rem3A_795 : i32
          %dma_wait3A_797 = arith.constant 0 : i32
          %dma_wait3A_798 = arith.constant 0 : i32
          %dma_wait3A_799 = tpu.memref_slice %arg8[%rem3A_796, %dma_wait3A_797, %dma_wait3A_798] : memref<3x32x1024xf32, #tpu.memory_space<vmem>> -> memref<1x32x1024xf32, #tpu.memory_space<vmem>>
          %dma_wait3A_800 = tpu.memref_squeeze %dma_wait3A_799 : memref<1x32x1024xf32, #tpu.memory_space<vmem>> -> memref<32x1024xf32, #tpu.memory_space<vmem>>
          %dma_wait3A_801 = arith.constant 0 : i32
          %dma_wait3A_802 = arith.constant 0 : i32
          %dma_wait3A_803 = tpu.memref_slice %arg5[%dma_wait3A_801, %dma_wait3A_802] : memref<32768x1024xf32, #tpu.memory_space<hbm>> -> memref<32x1024xf32, #tpu.memory_space<hbm>>
          %dma_wait3A_804 = tpu.memref_slice %arg10[%rem3A_796] : memref<3x!tpu.dma_semaphore, #tpu.memory_space<semaphore_mem>> -> memref<1x!tpu.dma_semaphore, #tpu.memory_space<semaphore_mem>>
          %dma_wait3A_805 = tpu.memref_squeeze %dma_wait3A_804 : memref<1x!tpu.dma_semaphore, #tpu.memory_space<semaphore_mem>> -> memref<!tpu.dma_semaphore, #tpu.memory_space<semaphore_mem>>
          %dma_wait3A_806 = arith.constant 0 : i32
          %dma_wait3A_807 = arith.constant 0 : i32
          %dma_wait3A_808 = tpu.memref_slice %arg5[%dma_wait3A_806, %dma_wait3A_807] : memref<32768x1024xf32, #tpu.memory_space<hbm>> -> memref<32x1024xf32, #tpu.memory_space<hbm>>
          %dma_wait3A_809 = arith.constant 0 : i32
          %dma_wait3A_810 = arith.constant 0 : i32
          %dma_wait3A_811 = tpu.memref_slice %arg8[%rem3A_796, %dma_wait3A_809, %dma_wait3A_810] : memref<3x32x1024xf32, #tpu.memory_space<vmem>> -> memref<1x32x1024xf32, #tpu.memory_space<vmem>>
          %dma_wait3A_812 = tpu.memref_squeeze %dma_wait3A_811 : memref<1x32x1024xf32, #tpu.memory_space<vmem>> -> memref<32x1024xf32, #tpu.memory_space<vmem>>
          tpu.wait_dma2 semaphore(%dma_wait3A_805 : memref<!tpu.dma_semaphore, #tpu.memory_space<semaphore_mem>>) src(%dma_wait3A_812 : memref<32x1024xf32, #tpu.memory_space<vmem>>) dst(%dma_wait3A_808 : memref<32x1024xf32, #tpu.memory_space<hbm>>)
        } else {
        }
        %add3A_775 = arith.constant 1 : i32
        %add3A_776 = arith.addi %while3A_582, %add3A_775 : i32
        %rem3A_777 = arith.constant 3 : i32
        %rem3A_778 = arith.remsi %add3A_776, %rem3A_777 : i32
        %dma_start3A_779 = arith.constant 0 : i32
        %dma_start3A_780 = arith.constant 0 : i32
        %dma_start3A_781 = tpu.memref_slice %arg8[%rem3A_778, %dma_start3A_779, %dma_start3A_780] : memref<3x32x1024xf32, #tpu.memory_space<vmem>> -> memref<1x32x1024xf32, #tpu.memory_space<vmem>>
        %dma_start3A_782 = tpu.memref_squeeze %dma_start3A_781 : memref<1x32x1024xf32, #tpu.memory_space<vmem>> -> memref<32x1024xf32, #tpu.memory_space<vmem>>
        %dma_start3A_783 = arith.constant 0 : i32
        %dma_start3A_784 = tpu.memref_slice %arg2[%multiple_of3A_763, %dma_start3A_783] : memref<32768x1024xf32, #tpu.memory_space<hbm>> -> memref<32x1024xf32, #tpu.memory_space<hbm>>
        %dma_start3A_785 = tpu.memref_slice %arg9[%rem3A_778] : memref<3x!tpu.dma_semaphore, #tpu.memory_space<semaphore_mem>> -> memref<1x!tpu.dma_semaphore, #tpu.memory_space<semaphore_mem>>
        %dma_start3A_786 = tpu.memref_squeeze %dma_start3A_785 : memref<1x!tpu.dma_semaphore, #tpu.memory_space<semaphore_mem>> -> memref<!tpu.dma_semaphore, #tpu.memory_space<semaphore_mem>>
        %dma_start3A_787 = arith.constant 0 : i32
        %dma_start3A_788 = arith.constant 0 : i32
        %dma_start3A_789 = tpu.memref_slice %arg8[%rem3A_778, %dma_start3A_787, %dma_start3A_788] : memref<3x32x1024xf32, #tpu.memory_space<vmem>> -> memref<1x32x1024xf32, #tpu.memory_space<vmem>>
        %dma_start3A_790 = tpu.memref_squeeze %dma_start3A_789 : memref<1x32x1024xf32, #tpu.memory_space<vmem>> -> memref<32x1024xf32, #tpu.memory_space<vmem>>
        %dma_start3A_791 = arith.constant 0 : i32
        %dma_start3A_792 = tpu.memref_slice %arg2[%multiple_of3A_763, %dma_start3A_791] : memref<32768x1024xf32, #tpu.memory_space<hbm>> -> memref<32x1024xf32, #tpu.memory_space<hbm>>
        tpu.enqueue_dma source(%dma_start3A_792 : memref<32x1024xf32, #tpu.memory_space<hbm>>) target(%dma_start3A_790 : memref<32x1024xf32, #tpu.memory_space<vmem>>) target_semaphore(%dma_start3A_786 : memref<!tpu.dma_semaphore, #tpu.memory_space<semaphore_mem>>)
      } else {
      }
      scf.yield %multiple_of3A_763 : i32
    }
    %while3A_555 = arith.constant 1 : i32
    %while3A_556 = scf.for %while3A_582 = %while3A_552 to %while3A_548 step %while3A_555 iter_args(%while3A_583 = %while3A_554) -> (i32)  : i32 {
      %multiple_of3A_584 = tpu.assume_multiple %while3A_583, 32 : i32
      %rem3A_585 = arith.constant 3 : i32
      %rem3A_586 = arith.remsi %while3A_582, %rem3A_585 : i32
      %dma_wait3A = arith.constant 0 : i32
      %dma_wait3A_587 = arith.constant 0 : i32
      %dma_wait3A_588 = tpu.memref_slice %arg8[%rem3A_586, %dma_wait3A, %dma_wait3A_587] : memref<3x32x1024xf32, #tpu.memory_space<vmem>> -> memref<1x32x1024xf32, #tpu.memory_space<vmem>>
      %dma_wait3A_589 = tpu.memref_squeeze %dma_wait3A_588 : memref<1x32x1024xf32, #tpu.memory_space<vmem>> -> memref<32x1024xf32, #tpu.memory_space<vmem>>
      %dma_wait3A_590 = arith.constant 0 : i32
      %dma_wait3A_591 = tpu.memref_slice %arg2[%multiple_of3A_584, %dma_wait3A_590] : memref<32768x1024xf32, #tpu.memory_space<hbm>> -> memref<32x1024xf32, #tpu.memory_space<hbm>>
      %dma_wait3A_592 = tpu.memref_slice %arg9[%rem3A_586] : memref<3x!tpu.dma_semaphore, #tpu.memory_space<semaphore_mem>> -> memref<1x!tpu.dma_semaphore, #tpu.memory_space<semaphore_mem>>
      %dma_wait3A_593 = tpu.memref_squeeze %dma_wait3A_592 : memref<1x!tpu.dma_semaphore, #tpu.memory_space<semaphore_mem>> -> memref<!tpu.dma_semaphore, #tpu.memory_space<semaphore_mem>>
      %dma_wait3A_594 = arith.constant 0 : i32
      %dma_wait3A_595 = arith.constant 0 : i32
      %dma_wait3A_596 = tpu.memref_slice %arg8[%rem3A_586, %dma_wait3A_594, %dma_wait3A_595] : memref<3x32x1024xf32, #tpu.memory_space<vmem>> -> memref<1x32x1024xf32, #tpu.memory_space<vmem>>
      %dma_wait3A_597 = tpu.memref_squeeze %dma_wait3A_596 : memref<1x32x1024xf32, #tpu.memory_space<vmem>> -> memref<32x1024xf32, #tpu.memory_space<vmem>>
      %dma_wait3A_598 = arith.constant 0 : i32
      %dma_wait3A_599 = tpu.memref_slice %arg2[%multiple_of3A_584, %dma_wait3A_598] : memref<32768x1024xf32, #tpu.memory_space<hbm>> -> memref<32x1024xf32, #tpu.memory_space<hbm>>
      tpu.wait_dma2 semaphore(%dma_wait3A_593 : memref<!tpu.dma_semaphore, #tpu.memory_space<semaphore_mem>>) src(%dma_wait3A_599 : memref<32x1024xf32, #tpu.memory_space<hbm>>) dst(%dma_wait3A_597 : memref<32x1024xf32, #tpu.memory_space<vmem>>)
      %dma_start3A = arith.constant 0 : i32
      %dma_start3A_600 = arith.constant 0 : i32
      %dma_start3A_601 = tpu.memref_slice %arg8[%rem3A_586, %dma_start3A, %dma_start3A_600] : memref<3x32x1024xf32, #tpu.memory_space<vmem>> -> memref<1x32x1024xf32, #tpu.memory_space<vmem>>
      %dma_start3A_602 = tpu.memref_squeeze %dma_start3A_601 : memref<1x32x1024xf32, #tpu.memory_space<vmem>> -> memref<32x1024xf32, #tpu.memory_space<vmem>>
      %dma_start3A_603 = arith.constant 0 : i32
      %dma_start3A_604 = tpu.memref_slice %arg5[%multiple_of3A_584, %dma_start3A_603] : memref<32768x1024xf32, #tpu.memory_space<hbm>> -> memref<32x1024xf32, #tpu.memory_space<hbm>>
      %dma_start3A_605 = tpu.memref_slice %arg10[%rem3A_586] : memref<3x!tpu.dma_semaphore, #tpu.memory_space<semaphore_mem>> -> memref<1x!tpu.dma_semaphore, #tpu.memory_space<semaphore_mem>>
      %dma_start3A_606 = tpu.memref_squeeze %dma_start3A_605 : memref<1x!tpu.dma_semaphore, #tpu.memory_space<semaphore_mem>> -> memref<!tpu.dma_semaphore, #tpu.memory_space<semaphore_mem>>
      %dma_start3A_607 = arith.constant 0 : i32
      %dma_start3A_608 = tpu.memref_slice %arg5[%multiple_of3A_584, %dma_start3A_607] : memref<32768x1024xf32, #tpu.memory_space<hbm>> -> memref<32x1024xf32, #tpu.memory_space<hbm>>
      %dma_start3A_609 = arith.constant 0 : i32
      %dma_start3A_610 = arith.constant 0 : i32
      %dma_start3A_611 = tpu.memref_slice %arg8[%rem3A_586, %dma_start3A_609, %dma_start3A_610] : memref<3x32x1024xf32, #tpu.memory_space<vmem>> -> memref<1x32x1024xf32, #tpu.memory_space<vmem>>
      %dma_start3A_612 = tpu.memref_squeeze %dma_start3A_611 : memref<1x32x1024xf32, #tpu.memory_space<vmem>> -> memref<32x1024xf32, #tpu.memory_space<vmem>>
      tpu.enqueue_dma source(%dma_start3A_612 : memref<32x1024xf32, #tpu.memory_space<vmem>>) target(%dma_start3A_608 : memref<32x1024xf32, #tpu.memory_space<hbm>>) target_semaphore(%dma_start3A_606 : memref<!tpu.dma_semaphore, #tpu.memory_space<semaphore_mem>>)
      %add3A_613 = arith.constant 1 : i32
      %add3A_614 = arith.addi %while3A_582, %add3A_613 : i32
      %mul3A_615 = arith.constant 32 : i32
      %mul3A_616 = arith.muli %add3A_614, %mul3A_615 : i32
      %add3A_617 = arith.addi %add3A, %mul3A_616 : i32
      %ge3A_618 = arith.cmpi sge, %add3A_617, %while3A_545 : i32
      %lt3A_619 = arith.cmpi slt, %add3A_617, %add3A_148 : i32
      %and3A_620 = arith.andi %ge3A_618, %lt3A_619 : i1
      %sub3A_621 = arith.subi %add3A_617, %while3A_545 : i32
      %mul3A_622 = arith.constant 32 : i32
      %mul3A_623 = arith.muli %sub3A_621, %mul3A_622 : i32
      %add3A_624 = arith.constant 0 : i32
      %add3A_625 = arith.addi %add3A_624, %mul3A_623 : i32
      %jit3A_626 = arith.constant 0 : i32
      %select_n3A_627 = arith.select %and3A_620, %add3A_625, %jit3A_626 : i32
      %ge3A_628 = arith.cmpi sge, %add3A_617, %add3A_148 : i32
      %lt3A_629 = arith.cmpi slt, %add3A_617, %add3A_152 : i32
      %and3A_630 = arith.andi %ge3A_628, %lt3A_629 : i1
      %sub3A_631 = arith.subi %add3A_617, %add3A_148 : i32
      %mul3A_632 = arith.constant 32 : i32
      %mul3A_633 = arith.muli %sub3A_631, %mul3A_632 : i32
      %add3A_634 = arith.constant 2048 : i32
      %add3A_635 = arith.addi %add3A_634, %mul3A_633 : i32
      %select_n3A_636 = arith.select %and3A_630, %add3A_635, %select_n3A_627 : i32
      %ge3A_637 = arith.cmpi sge, %add3A_617, %add3A_152 : i32
      %lt3A_638 = arith.cmpi slt, %add3A_617, %add3A_155 : i32
      %and3A_639 = arith.andi %ge3A_637, %lt3A_638 : i1
      %sub3A_640 = arith.subi %add3A_617, %add3A_152 : i32
      %mul3A_641 = arith.constant 32 : i32
      %mul3A_642 = arith.muli %sub3A_640, %mul3A_641 : i32
      %add3A_643 = arith.constant 4096 : i32
      %add3A_644 = arith.addi %add3A_643, %mul3A_642 : i32
      %select_n3A_645 = arith.select %and3A_639, %add3A_644, %select_n3A_636 : i32
      %ge3A_646 = arith.cmpi sge, %add3A_617, %add3A_155 : i32
      %lt3A_647 = arith.cmpi slt, %add3A_617, %add3A_158 : i32
      %and3A_648 = arith.andi %ge3A_646, %lt3A_647 : i1
      %sub3A_649 = arith.subi %add3A_617, %add3A_155 : i32
      %mul3A_650 = arith.constant 32 : i32
      %mul3A_651 = arith.muli %sub3A_649, %mul3A_650 : i32
      %add3A_652 = arith.constant 6144 : i32
      %add3A_653 = arith.addi %add3A_652, %mul3A_651 : i32
      %select_n3A_654 = arith.select %and3A_648, %add3A_653, %select_n3A_645 : i32
      %ge3A_655 = arith.cmpi sge, %add3A_617, %add3A_158 : i32
      %lt3A_656 = arith.cmpi slt, %add3A_617, %add3A_161 : i32
      %and3A_657 = arith.andi %ge3A_655, %lt3A_656 : i1
      %sub3A_658 = arith.subi %add3A_617, %add3A_158 : i32
      %mul3A_659 = arith.constant 32 : i32
      %mul3A_660 = arith.muli %sub3A_658, %mul3A_659 : i32
      %add3A_661 = arith.constant 8192 : i32
      %add3A_662 = arith.addi %add3A_661, %mul3A_660 : i32
      %select_n3A_663 = arith.select %and3A_657, %add3A_662, %select_n3A_654 : i32
      %ge3A_664 = arith.cmpi sge, %add3A_617, %add3A_161 : i32
      %lt3A_665 = arith.cmpi slt, %add3A_617, %add3A_164 : i32
      %and3A_666 = arith.andi %ge3A_664, %lt3A_665 : i1
      %sub3A_667 = arith.subi %add3A_617, %add3A_161 : i32
      %mul3A_668 = arith.constant 32 : i32
      %mul3A_669 = arith.muli %sub3A_667, %mul3A_668 : i32
      %add3A_670 = arith.constant 10240 : i32
      %add3A_671 = arith.addi %add3A_670, %mul3A_669 : i32
      %select_n3A_672 = arith.select %and3A_666, %add3A_671, %select_n3A_663 : i32
      %ge3A_673 = arith.cmpi sge, %add3A_617, %add3A_164 : i32
      %lt3A_674 = arith.cmpi slt, %add3A_617, %add3A_167 : i32
      %and3A_675 = arith.andi %ge3A_673, %lt3A_674 : i1
      %sub3A_676 = arith.subi %add3A_617, %add3A_164 : i32
      %mul3A_677 = arith.constant 32 : i32
      %mul3A_678 = arith.muli %sub3A_676, %mul3A_677 : i32
      %add3A_679 = arith.constant 12288 : i32
      %add3A_680 = arith.addi %add3A_679, %mul3A_678 : i32
      %select_n3A_681 = arith.select %and3A_675, %add3A_680, %select_n3A_672 : i32
      %ge3A_682 = arith.cmpi sge, %add3A_617, %add3A_167 : i32
      %lt3A_683 = arith.cmpi slt, %add3A_617, %add3A_170 : i32
      %and3A_684 = arith.andi %ge3A_682, %lt3A_683 : i1
      %sub3A_685 = arith.subi %add3A_617, %add3A_167 : i32
      %mul3A_686 = arith.constant 32 : i32
      %mul3A_687 = arith.muli %sub3A_685, %mul3A_686 : i32
      %add3A_688 = arith.constant 14336 : i32
      %add3A_689 = arith.addi %add3A_688, %mul3A_687 : i32
      %select_n3A_690 = arith.select %and3A_684, %add3A_689, %select_n3A_681 : i32
      %ge3A_691 = arith.cmpi sge, %add3A_617, %add3A_170 : i32
      %lt3A_692 = arith.cmpi slt, %add3A_617, %add3A_173 : i32
      %and3A_693 = arith.andi %ge3A_691, %lt3A_692 : i1
      %sub3A_694 = arith.subi %add3A_617, %add3A_170 : i32
      %mul3A_695 = arith.constant 32 : i32
      %mul3A_696 = arith.muli %sub3A_694, %mul3A_695 : i32
      %add3A_697 = arith.constant 16384 : i32
      %add3A_698 = arith.addi %add3A_697, %mul3A_696 : i32
      %select_n3A_699 = arith.select %and3A_693, %add3A_698, %select_n3A_690 : i32
      %ge3A_700 = arith.cmpi sge, %add3A_617, %add3A_173 : i32
      %lt3A_701 = arith.cmpi slt, %add3A_617, %add3A_176 : i32
      %and3A_702 = arith.andi %ge3A_700, %lt3A_701 : i1
      %sub3A_703 = arith.subi %add3A_617, %add3A_173 : i32
      %mul3A_704 = arith.constant 32 : i32
      %mul3A_705 = arith.muli %sub3A_703, %mul3A_704 : i32
      %add3A_706 = arith.constant 18432 : i32
      %add3A_707 = arith.addi %add3A_706, %mul3A_705 : i32
      %select_n3A_708 = arith.select %and3A_702, %add3A_707, %select_n3A_699 : i32
      %ge3A_709 = arith.cmpi sge, %add3A_617, %add3A_176 : i32
      %lt3A_710 = arith.cmpi slt, %add3A_617, %add3A_179 : i32
      %and3A_711 = arith.andi %ge3A_709, %lt3A_710 : i1
      %sub3A_712 = arith.subi %add3A_617, %add3A_176 : i32
      %mul3A_713 = arith.constant 32 : i32
      %mul3A_714 = arith.muli %sub3A_712, %mul3A_713 : i32
      %add3A_715 = arith.constant 20480 : i32
      %add3A_716 = arith.addi %add3A_715, %mul3A_714 : i32
      %select_n3A_717 = arith.select %and3A_711, %add3A_716, %select_n3A_708 : i32
      %ge3A_718 = arith.cmpi sge, %add3A_617, %add3A_179 : i32
      %lt3A_719 = arith.cmpi slt, %add3A_617, %add3A_182 : i32
      %and3A_720 = arith.andi %ge3A_718, %lt3A_719 : i1
      %sub3A_721 = arith.subi %add3A_617, %add3A_179 : i32
      %mul3A_722 = arith.constant 32 : i32
      %mul3A_723 = arith.muli %sub3A_721, %mul3A_722 : i32
      %add3A_724 = arith.constant 22528 : i32
      %add3A_725 = arith.addi %add3A_724, %mul3A_723 : i32
      %select_n3A_726 = arith.select %and3A_720, %add3A_725, %select_n3A_717 : i32
      %ge3A_727 = arith.cmpi sge, %add3A_617, %add3A_182 : i32
      %lt3A_728 = arith.cmpi slt, %add3A_617, %add3A_185 : i32
      %and3A_729 = arith.andi %ge3A_727, %lt3A_728 : i1
      %sub3A_730 = arith.subi %add3A_617, %add3A_182 : i32
      %mul3A_731 = arith.constant 32 : i32
      %mul3A_732 = arith.muli %sub3A_730, %mul3A_731 : i32
      %add3A_733 = arith.constant 24576 : i32
      %add3A_734 = arith.addi %add3A_733, %mul3A_732 : i32
      %select_n3A_735 = arith.select %and3A_729, %add3A_734, %select_n3A_726 : i32
      %ge3A_736 = arith.cmpi sge, %add3A_617, %add3A_185 : i32
      %lt3A_737 = arith.cmpi slt, %add3A_617, %add3A_188 : i32
      %and3A_738 = arith.andi %ge3A_736, %lt3A_737 : i1
      %sub3A_739 = arith.subi %add3A_617, %add3A_185 : i32
      %mul3A_740 = arith.constant 32 : i32
      %mul3A_741 = arith.muli %sub3A_739, %mul3A_740 : i32
      %add3A_742 = arith.constant 26624 : i32
      %add3A_743 = arith.addi %add3A_742, %mul3A_741 : i32
      %select_n3A_744 = arith.select %and3A_738, %add3A_743, %select_n3A_735 : i32
      %ge3A_745 = arith.cmpi sge, %add3A_617, %add3A_188 : i32
      %lt3A_746 = arith.cmpi slt, %add3A_617, %add3A_191 : i32
      %and3A_747 = arith.andi %ge3A_745, %lt3A_746 : i1
      %sub3A_748 = arith.subi %add3A_617, %add3A_188 : i32
      %mul3A_749 = arith.constant 32 : i32
      %mul3A_750 = arith.muli %sub3A_748, %mul3A_749 : i32
      %add3A_751 = arith.constant 28672 : i32
      %add3A_752 = arith.addi %add3A_751, %mul3A_750 : i32
      %select_n3A_753 = arith.select %and3A_747, %add3A_752, %select_n3A_744 : i32
      %ge3A_754 = arith.cmpi sge, %add3A_617, %add3A_191 : i32
      %lt3A_755 = arith.cmpi slt, %add3A_617, %add3A_194 : i32
      %and3A_756 = arith.andi %ge3A_754, %lt3A_755 : i1
      %sub3A_757 = arith.subi %add3A_617, %add3A_191 : i32
      %mul3A_758 = arith.constant 32 : i32
      %mul3A_759 = arith.muli %sub3A_757, %mul3A_758 : i32
      %add3A_760 = arith.constant 30720 : i32
      %add3A_761 = arith.addi %add3A_760, %mul3A_759 : i32
      %select_n3A_762 = arith.select %and3A_756, %add3A_761, %select_n3A_753 : i32
      %multiple_of3A_763 = tpu.assume_multiple %select_n3A_762, 32 : i32
      %add3A_764 = arith.constant 1 : i32
      %add3A_765 = arith.addi %while3A_582, %add3A_764 : i32
      %lt3A_766 = arith.cmpi slt, %add3A_765, %max3A_393 : i32
      %convert_element_type3A_767 = arith.extui %lt3A_766 : i1 to i32
      %cond3A_768 = arith.constant 0 : i32
      %cond3A_769 = arith.cmpi ne, %convert_element_type3A_767, %cond3A_768 : i32
      scf.if %cond3A_769 {
        %ge3A_770 = arith.constant 2 : i32
        %ge3A_771 = arith.cmpi sge, %while3A_582, %ge3A_770 : i32
        %convert_element_type3A_772 = arith.extui %ge3A_771 : i1 to i32
        %cond3A_773 = arith.constant 0 : i32
        %cond3A_774 = arith.cmpi ne, %convert_element_type3A_772, %cond3A_773 : i32
        scf.if %cond3A_774 {
          %add3A_793 = arith.constant 1 : i32
          %add3A_794 = arith.addi %while3A_582, %add3A_793 : i32
          %rem3A_795 = arith.constant 3 : i32
          %rem3A_796 = arith.remsi %add3A_794, %rem3A_795 : i32
          %dma_wait3A_797 = arith.constant 0 : i32
          %dma_wait3A_798 = arith.constant 0 : i32
          %dma_wait3A_799 = tpu.memref_slice %arg8[%rem3A_796, %dma_wait3A_797, %dma_wait3A_798] : memref<3x32x1024xf32, #tpu.memory_space<vmem>> -> memref<1x32x1024xf32, #tpu.memory_space<vmem>>
          %dma_wait3A_800 = tpu.memref_squeeze %dma_wait3A_799 : memref<1x32x1024xf32, #tpu.memory_space<vmem>> -> memref<32x1024xf32, #tpu.memory_space<vmem>>
          %dma_wait3A_801 = arith.constant 0 : i32
          %dma_wait3A_802 = arith.constant 0 : i32
          %dma_wait3A_803 = tpu.memref_slice %arg5[%dma_wait3A_801, %dma_wait3A_802] : memref<32768x1024xf32, #tpu.memory_space<hbm>> -> memref<32x1024xf32, #tpu.memory_space<hbm>>
          %dma_wait3A_804 = tpu.memref_slice %arg10[%rem3A_796] : memref<3x!tpu.dma_semaphore, #tpu.memory_space<semaphore_mem>> -> memref<1x!tpu.dma_semaphore, #tpu.memory_space<semaphore_mem>>
          %dma_wait3A_805 = tpu.memref_squeeze %dma_wait3A_804 : memref<1x!tpu.dma_semaphore, #tpu.memory_space<semaphore_mem>> -> memref<!tpu.dma_semaphore, #tpu.memory_space<semaphore_mem>>
          %dma_wait3A_806 = arith.constant 0 : i32
          %dma_wait3A_807 = arith.constant 0 : i32
          %dma_wait3A_808 = tpu.memref_slice %arg5[%dma_wait3A_806, %dma_wait3A_807] : memref<32768x1024xf32, #tpu.memory_space<hbm>> -> memref<32x1024xf32, #tpu.memory_space<hbm>>
          %dma_wait3A_809 = arith.constant 0 : i32
          %dma_wait3A_810 = arith.constant 0 : i32
          %dma_wait3A_811 = tpu.memref_slice %arg8[%rem3A_796, %dma_wait3A_809, %dma_wait3A_810] : memref<3x32x1024xf32, #tpu.memory_space<vmem>> -> memref<1x32x1024xf32, #tpu.memory_space<vmem>>
          %dma_wait3A_812 = tpu.memref_squeeze %dma_wait3A_811 : memref<1x32x1024xf32, #tpu.memory_space<vmem>> -> memref<32x1024xf32, #tpu.memory_space<vmem>>
          tpu.wait_dma2 semaphore(%dma_wait3A_805 : memref<!tpu.dma_semaphore, #tpu.memory_space<semaphore_mem>>) src(%dma_wait3A_812 : memref<32x1024xf32, #tpu.memory_space<vmem>>) dst(%dma_wait3A_808 : memref<32x1024xf32, #tpu.memory_space<hbm>>)
        } else {
        }
        %add3A_775 = arith.constant 1 : i32
        %add3A_776 = arith.addi %while3A_582, %add3A_775 : i32
        %rem3A_777 = arith.constant 3 : i32
        %rem3A_778 = arith.remsi %add3A_776, %rem3A_777 : i32
        %dma_start3A_779 = arith.constant 0 : i32
        %dma_start3A_780 = arith.constant 0 : i32
        %dma_start3A_781 = tpu.memref_slice %arg8[%rem3A_778, %dma_start3A_779, %dma_start3A_780] : memref<3x32x1024xf32, #tpu.memory_space<vmem>> -> memref<1x32x1024xf32, #tpu.memory_space<vmem>>
        %dma_start3A_782 = tpu.memref_squeeze %dma_start3A_781 : memref<1x32x1024xf32, #tpu.memory_space<vmem>> -> memref<32x1024xf32, #tpu.memory_space<vmem>>
        %dma_start3A_783 = arith.constant 0 : i32
        %dma_start3A_784 = tpu.memref_slice %arg2[%multiple_of3A_763, %dma_start3A_783] : memref<32768x1024xf32, #tpu.memory_space<hbm>> -> memref<32x1024xf32, #tpu.memory_space<hbm>>
        %dma_start3A_785 = tpu.memref_slice %arg9[%rem3A_778] : memref<3x!tpu.dma_semaphore, #tpu.memory_space<semaphore_mem>> -> memref<1x!tpu.dma_semaphore, #tpu.memory_space<semaphore_mem>>
        %dma_start3A_786 = tpu.memref_squeeze %dma_start3A_785 : memref<1x!tpu.dma_semaphore, #tpu.memory_space<semaphore_mem>> -> memref<!tpu.dma_semaphore, #tpu.memory_space<semaphore_mem>>
        %dma_start3A_787 = arith.constant 0 : i32
        %dma_start3A_788 = arith.constant 0 : i32
        %dma_start3A_789 = tpu.memref_slice %arg8[%rem3A_778, %dma_start3A_787, %dma_start3A_788] : memref<3x32x1024xf32, #tpu.memory_space<vmem>> -> memref<1x32x1024xf32, #tpu.memory_space<vmem>>
        %dma_start3A_790 = tpu.memref_squeeze %dma_start3A_789 : memref<1x32x1024xf32, #tpu.memory_space<vmem>> -> memref<32x1024xf32, #tpu.memory_space<vmem>>
        %dma_start3A_791 = arith.constant 0 : i32
        %dma_start3A_792 = tpu.memref_slice %arg2[%multiple_of3A_763, %dma_start3A_791] : memref<32768x1024xf32, #tpu.memory_space<hbm>> -> memref<32x1024xf32, #tpu.memory_space<hbm>>
        tpu.enqueue_dma source(%dma_start3A_792 : memref<32x1024xf32, #tpu.memory_space<hbm>>) target(%dma_start3A_790 : memref<32x1024xf32, #tpu.memory_space<vmem>>) target_semaphore(%dma_start3A_786 : memref<!tpu.dma_semaphore, #tpu.memory_space<semaphore_mem>>)
      } else {
      }
      scf.yield %multiple_of3A_763 : i32
    }
    %gt3A_557 = arith.constant 2 : i32
    %gt3A_558 = arith.cmpi sgt, %max3A_393, %gt3A_557 : i32
    %convert_element_type3A_559 = arith.extui %gt3A_558 : i1 to i32
    %cond3A_560 = arith.constant 0 : i32
    %cond3A_561 = arith.cmpi ne, %convert_element_type3A_559, %cond3A_560 : i32
    scf.if %cond3A_561 {
      %sub3A_582 = arith.constant 3 : i32
      %sub3A_583 = arith.subi %max3A_393, %sub3A_582 : i32
      %rem3A_584 = arith.constant 3 : i32
      %rem3A_585 = arith.remsi %sub3A_583, %rem3A_584 : i32
      %dma_wait3A = arith.constant 0 : i32
      %dma_wait3A_586 = arith.constant 0 : i32
      %dma_wait3A_587 = tpu.memref_slice %arg8[%rem3A_585, %dma_wait3A, %dma_wait3A_586] : memref<3x32x1024xf32, #tpu.memory_space<vmem>> -> memref<1x32x1024xf32, #tpu.memory_space<vmem>>
      %dma_wait3A_588 = tpu.memref_squeeze %dma_wait3A_587 : memref<1x32x1024xf32, #tpu.memory_space<vmem>> -> memref<32x1024xf32, #tpu.memory_space<vmem>>
      %dma_wait3A_589 = arith.constant 0 : i32
      %dma_wait3A_590 = arith.constant 0 : i32
      %dma_wait3A_591 = tpu.memref_slice %arg5[%dma_wait3A_589, %dma_wait3A_590] : memref<32768x1024xf32, #tpu.memory_space<hbm>> -> memref<32x1024xf32, #tpu.memory_space<hbm>>
      %dma_wait3A_592 = tpu.memref_slice %arg10[%rem3A_585] : memref<3x!tpu.dma_semaphore, #tpu.memory_space<semaphore_mem>> -> memref<1x!tpu.dma_semaphore, #tpu.memory_space<semaphore_mem>>
      %dma_wait3A_593 = tpu.memref_squeeze %dma_wait3A_592 : memref<1x!tpu.dma_semaphore, #tpu.memory_space<semaphore_mem>> -> memref<!tpu.dma_semaphore, #tpu.memory_space<semaphore_mem>>
      %dma_wait3A_594 = arith.constant 0 : i32
      %dma_wait3A_595 = arith.constant 0 : i32
      %dma_wait3A_596 = tpu.memref_slice %arg5[%dma_wait3A_594, %dma_wait3A_595] : memref<32768x1024xf32, #tpu.memory_space<hbm>> -> memref<32x1024xf32, #tpu.memory_space<hbm>>
      %dma_wait3A_597 = arith.constant 0 : i32
      %dma_wait3A_598 = arith.constant 0 : i32
      %dma_wait3A_599 = tpu.memref_slice %arg8[%rem3A_585, %dma_wait3A_597, %dma_wait3A_598] : memref<3x32x1024xf32, #tpu.memory_space<vmem>> -> memref<1x32x1024xf32, #tpu.memory_space<vmem>>
      %dma_wait3A_600 = tpu.memref_squeeze %dma_wait3A_599 : memref<1x32x1024xf32, #tpu.memory_space<vmem>> -> memref<32x1024xf32, #tpu.memory_space<vmem>>
      tpu.wait_dma2 semaphore(%dma_wait3A_593 : memref<!tpu.dma_semaphore, #tpu.memory_space<semaphore_mem>>) src(%dma_wait3A_600 : memref<32x1024xf32, #tpu.memory_space<vmem>>) dst(%dma_wait3A_596 : memref<32x1024xf32, #tpu.memory_space<hbm>>)
    } else {
    }
    %gt3A_562 = arith.constant 1 : i32
    %gt3A_563 = arith.cmpi sgt, %max3A_393, %gt3A_562 : i32
    %convert_element_type3A_564 = arith.extui %gt3A_563 : i1 to i32
    %cond3A_565 = arith.constant 0 : i32
    %cond3A_566 = arith.cmpi ne, %convert_element_type3A_564, %cond3A_565 : i32
    scf.if %cond3A_566 {
      %sub3A_582 = arith.constant 2 : i32
      %sub3A_583 = arith.subi %max3A_393, %sub3A_582 : i32
      %rem3A_584 = arith.constant 3 : i32
      %rem3A_585 = arith.remsi %sub3A_583, %rem3A_584 : i32
      %dma_wait3A = arith.constant 0 : i32
      %dma_wait3A_586 = arith.constant 0 : i32
      %dma_wait3A_587 = tpu.memref_slice %arg8[%rem3A_585, %dma_wait3A, %dma_wait3A_586] : memref<3x32x1024xf32, #tpu.memory_space<vmem>> -> memref<1x32x1024xf32, #tpu.memory_space<vmem>>
      %dma_wait3A_588 = tpu.memref_squeeze %dma_wait3A_587 : memref<1x32x1024xf32, #tpu.memory_space<vmem>> -> memref<32x1024xf32, #tpu.memory_space<vmem>>
      %dma_wait3A_589 = arith.constant 0 : i32
      %dma_wait3A_590 = arith.constant 0 : i32
      %dma_wait3A_591 = tpu.memref_slice %arg5[%dma_wait3A_589, %dma_wait3A_590] : memref<32768x1024xf32, #tpu.memory_space<hbm>> -> memref<32x1024xf32, #tpu.memory_space<hbm>>
      %dma_wait3A_592 = tpu.memref_slice %arg10[%rem3A_585] : memref<3x!tpu.dma_semaphore, #tpu.memory_space<semaphore_mem>> -> memref<1x!tpu.dma_semaphore, #tpu.memory_space<semaphore_mem>>
      %dma_wait3A_593 = tpu.memref_squeeze %dma_wait3A_592 : memref<1x!tpu.dma_semaphore, #tpu.memory_space<semaphore_mem>> -> memref<!tpu.dma_semaphore, #tpu.memory_space<semaphore_mem>>
      %dma_wait3A_594 = arith.constant 0 : i32
      %dma_wait3A_595 = arith.constant 0 : i32
      %dma_wait3A_596 = tpu.memref_slice %arg5[%dma_wait3A_594, %dma_wait3A_595] : memref<32768x1024xf32, #tpu.memory_space<hbm>> -> memref<32x1024xf32, #tpu.memory_space<hbm>>
      %dma_wait3A_597 = arith.constant 0 : i32
      %dma_wait3A_598 = arith.constant 0 : i32
      %dma_wait3A_599 = tpu.memref_slice %arg8[%rem3A_585, %dma_wait3A_597, %dma_wait3A_598] : memref<3x32x1024xf32, #tpu.memory_space<vmem>> -> memref<1x32x1024xf32, #tpu.memory_space<vmem>>
      %dma_wait3A_600 = tpu.memref_squeeze %dma_wait3A_599 : memref<1x32x1024xf32, #tpu.memory_space<vmem>> -> memref<32x1024xf32, #tpu.memory_space<vmem>>
      tpu.wait_dma2 semaphore(%dma_wait3A_593 : memref<!tpu.dma_semaphore, #tpu.memory_space<semaphore_mem>>) src(%dma_wait3A_600 : memref<32x1024xf32, #tpu.memory_space<vmem>>) dst(%dma_wait3A_596 : memref<32x1024xf32, #tpu.memory_space<hbm>>)
    } else {
    }
    %gt3A_567 = arith.constant 0 : i32
    %gt3A_568 = arith.cmpi sgt, %max3A_393, %gt3A_567 : i32
    %convert_element_type3A_569 = arith.extui %gt3A_568 : i1 to i32
    %cond3A_570 = arith.constant 0 : i32
    %cond3A_571 = arith.cmpi ne, %convert_element_type3A_569, %cond3A_570 : i32
    scf.if %cond3A_571 {
      %sub3A_582 = arith.constant 1 : i32
      %sub3A_583 = arith.subi %max3A_393, %sub3A_582 : i32
      %rem3A_584 = arith.constant 3 : i32
      %rem3A_585 = arith.remsi %sub3A_583, %rem3A_584 : i32
      %dma_wait3A = arith.constant 0 : i32
      %dma_wait3A_586 = arith.constant 0 : i32
      %dma_wait3A_587 = tpu.memref_slice %arg8[%rem3A_585, %dma_wait3A, %dma_wait3A_586] : memref<3x32x1024xf32, #tpu.memory_space<vmem>> -> memref<1x32x1024xf32, #tpu.memory_space<vmem>>
      %dma_wait3A_588 = tpu.memref_squeeze %dma_wait3A_587 : memref<1x32x1024xf32, #tpu.memory_space<vmem>> -> memref<32x1024xf32, #tpu.memory_space<vmem>>
      %dma_wait3A_589 = arith.constant 0 : i32
      %dma_wait3A_590 = arith.constant 0 : i32
      %dma_wait3A_591 = tpu.memref_slice %arg5[%dma_wait3A_589, %dma_wait3A_590] : memref<32768x1024xf32, #tpu.memory_space<hbm>> -> memref<32x1024xf32, #tpu.memory_space<hbm>>
      %dma_wait3A_592 = tpu.memref_slice %arg10[%rem3A_585] : memref<3x!tpu.dma_semaphore, #tpu.memory_space<semaphore_mem>> -> memref<1x!tpu.dma_semaphore, #tpu.memory_space<semaphore_mem>>
      %dma_wait3A_593 = tpu.memref_squeeze %dma_wait3A_592 : memref<1x!tpu.dma_semaphore, #tpu.memory_space<semaphore_mem>> -> memref<!tpu.dma_semaphore, #tpu.memory_space<semaphore_mem>>
      %dma_wait3A_594 = arith.constant 0 : i32
      %dma_wait3A_595 = arith.constant 0 : i32
      %dma_wait3A_596 = tpu.memref_slice %arg5[%dma_wait3A_594, %dma_wait3A_595] : memref<32768x1024xf32, #tpu.memory_space<hbm>> -> memref<32x1024xf32, #tpu.memory_space<hbm>>
      %dma_wait3A_597 = arith.constant 0 : i32
      %dma_wait3A_598 = arith.constant 0 : i32
      %dma_wait3A_599 = tpu.memref_slice %arg8[%rem3A_585, %dma_wait3A_597, %dma_wait3A_598] : memref<3x32x1024xf32, #tpu.memory_space<vmem>> -> memref<1x32x1024xf32, #tpu.memory_space<vmem>>
      %dma_wait3A_600 = tpu.memref_squeeze %dma_wait3A_599 : memref<1x32x1024xf32, #tpu.memory_space<vmem>> -> memref<32x1024xf32, #tpu.memory_space<vmem>>
      tpu.wait_dma2 semaphore(%dma_wait3A_593 : memref<!tpu.dma_semaphore, #tpu.memory_space<semaphore_mem>>) src(%dma_wait3A_600 : memref<32x1024xf32, #tpu.memory_space<vmem>>) dst(%dma_wait3A_596 : memref<32x1024xf32, #tpu.memory_space<hbm>>)
    } else {
    }
    %while3A_572 = arith.constant 0 : i32
    %while3A_573 = arith.constant 0 : i32
    %while3A_574 = arith.subi %max3A_218, %while3A_573 : i32
    %while3A_575 = arith.addi %while3A_573, %while3A_574 : i32
    %while3A_576 = arith.constant 1 : i32
    %while3A_577 = arith.divsi %while3A_574, %while3A_576 : i32
    %while3A_578 = arith.muli %while3A_577, %while3A_576 : i32
    %while3A_579 = arith.addi %while3A_573, %while3A_578 : i32
    %while3A_580 = arith.constant 1 : i32
    scf.for %while3A_582 = %while3A_573 to %while3A_579 step %while3A_580  : i32 {
      %dma_wait3A = arith.constant 0 : i32
      %dma_wait3A_583 = arith.constant 0 : i32
      %dma_wait3A_584 = tpu.memref_slice %arg5[%dma_wait3A, %dma_wait3A_583] : memref<32768x1024xf32, #tpu.memory_space<hbm>> -> memref<16x1024xf32, #tpu.memory_space<hbm>>
      tpu.wait_dma2 semaphore(%arg11 : memref<!tpu.dma_semaphore, #tpu.memory_space<semaphore_mem>>) src(%arg7 : memref<16x1024xf32, #tpu.memory_space<vmem_shared>>) dst(%dma_wait3A_584 : memref<16x1024xf32, #tpu.memory_space<hbm>>)
    }
    %while3A_581 = arith.constant 1 : i32
    scf.for %while3A_582 = %while3A_579 to %while3A_575 step %while3A_581  : i32 {
      %dma_wait3A = arith.constant 0 : i32
      %dma_wait3A_583 = arith.constant 0 : i32
      %dma_wait3A_584 = tpu.memref_slice %arg5[%dma_wait3A, %dma_wait3A_583] : memref<32768x1024xf32, #tpu.memory_space<hbm>> -> memref<16x1024xf32, #tpu.memory_space<hbm>>
      tpu.wait_dma2 semaphore(%arg11 : memref<!tpu.dma_semaphore, #tpu.memory_space<semaphore_mem>>) src(%arg7 : memref<16x1024xf32, #tpu.memory_space<vmem_shared>>) dst(%dma_wait3A_584 : memref<16x1024xf32, #tpu.memory_space<hbm>>)
    }
    return
  }
}

</mosaic_0001>

<sc_bundles>
// kernel: kernel.3.cloned.1.call-start
scs
__scs_entry_jumppad:
0x0: {  	(pc) =	sbr.rel $0x88, $3  }
0x1: {  	(tag) =	ssettag $0x0;
	lr =	simm.s32 $0x1  }
0x2: {  	[smem:$0x3F9F] =	sst lr;
	_ =	strace $0xD0000000  }
0x3: {  	_ = 	snop  }
0x4: {  	_ = 	snop  }
0x5: {  	_ = 	snop  }
0x6: {  	_ = 	snop  }
0x7: {  	_ = 	snop  }
__scs_overlays_trampoline_lowered:
0x8: {  	[smem:$0x3FAE] =	sst s0  }
0x9: {  	[smem:$0x3FAF] =	sst s1  }
0xa: {  	[smem:$0x3FB0] =	sst s2  }
0xb: {  	[smem:$0x3FB1] =	sst s3  }
0xc: {  	[smem:$0x3FB2] =	sst s4  }
0xd: {  	[smem:$0x3FB3] =	sst s5  }
0xe: {  	[smem:$0x3FB4] =	sst s6  }
0xf: {  	[smem:$0x3FB5] =	sst s7  }
0x10: {  	[smem:$0x3FB6] =	sst s8  }
0x11: {  	[smem:$0x3FB7] =	sst s9;
	s0 =	simm.s32 @!p0 $0x0  }
0x12: {  	s1 =	sld [smem:$0x3F9D];
	s0 =	simm.s32 @p0 $0x1  }
0x13: {  	[smem:$0x3FB8] =	sst s0;
	s0 =	simm.s32 @!p1 $0x0  }
0x14: {  	s2 =	sld [smem:$0x3F9C];
	s0 =	simm.s32 @p1 $0x1  }
0x15: {  	[smem:$0x3FB9] =	sst s0;
	s0 =	simm.s32 @!p2 $0x0  }
0x16: {  	s3 =	sld [smem:$0x3FDB];
	s0 =	simm.s32 @p2 $0x1  }
0x17: {  	s4 =	simm.s32 $0x1BF5;
	[smem:$0x3FBB] =	sst s0  }
0x18: {  	s0 =	sld [smem:$0x3F9E];
	_ =	swait.ge [sflag:s4], $0x0  }
0x19: {  	s7 =	sld [smem:$0x3F9F]  }
0x1a: {  	s8 =	sadd.s32 $0xFFFFE003, lr  }
0x1b: {  	s9 =	sadd.s32 $0xFFFFFEF7, lr;
	s5 =	simm.s32 $0xFFFFFFFF;
	p2 =	slt.u32 s8, $0xFFFFF086  }
0x1c: {  	p1 =	slt.u32 s9, $0xF7A;
	s5 =	simm.s32 @!p2 $0x0  }
0x1d: {  	s5 =	simm.s32 @p1 $0x1;
	p0 =	seq.s32 s7, s2  }
0x1e: {  	s7 =	smul.u32 @!p0 $0xF7A, s2;
	p2 =	seq.s32 @!p0 s5, $0x0  }
0x1f: {  	s9 =	smul.u32 $0xF7A, s1;
	s8 =	simm.s32 @!p0 $0x1BF5;
	p2 =	por !p2, p0  }
0x20: {  	[sflag:s8] =	ssyncset.s32 @!p0 $0xFFFFF086;
	s6 =	sadd.s32 @!p0 s3, s7;
	s7 =	simm.s32 @!p0 $0x108  }
0x21: {  	s3 =	sadd.s32 s3, s9;
	s6 =	sadd.s32 @!p0 $0x88, s6;
	s7 =	simm.s32 @p2 $0x1082  }
0x22: {  	[simem:s7], [sflag:s8] =	dma.local @!p0 [hbm:s6], $0xF7A  }
0x23: {  	s9 =	sor.u32 $0xD0000000, s2;
	s6 =	simm.s32 $0x108;
	_ =	swait.ge @!p0 [sflag:s8], $0x0  }
0x24: {  	s3 =	sadd.s32 $0x88, s3;
	s6 =	simm.s32 @!p1 $0x1082;
	[sflag:s4] =	ssyncset.s32 $0xFFFFF086  }
0x25: {  	[simem:s6], [sflag:s4] =	dma.local [hbm:s3], $0xF7A  }
0x26: {  	[smem:$0x3F9F] =	sst s1;
	(tag) =	ssettag s2;
	_ =	strace s9  }
0x27: {  	s1 =	sld [smem:$0x3FAF]  }
0x28: {  	s2 =	sld [smem:$0x3FB0]  }
0x29: {  	s4 =	sld [smem:$0x3FB2]  }
0x2a: {  	p0 =	seq.s32 s5, $0x0;
	s5 =	sld [smem:$0x3FB3]  }
0x2b: {  	s6 =	sld [smem:$0x3FB4]  }
0x2c: {  	s7 =	sld [smem:$0x3FB5]  }
0x2d: {  	s3 =	simm.s32 $0x108;
	s8 =	sld [smem:$0x3FB6]  }
0x2e: {  	s3 =	simm.s32 @!p0 $0x1082;
	s9 =	sld [smem:$0x3FB7]  }
0x2f: {  	lr =	sadd.s32 s0, s3;
	s0 =	sld [smem:$0x3FAE]  }
0x30: {  	s3 =	sld [smem:$0x3FB1]  }
0x31: {  	[smem:$0x3FBA] =	sst s10  }
0x32: {  	s10 =	sld [smem:$0x3FB8];
	_ =	sdelay $0x3  }
0x33: {  	p0 =	seq.s32 s10, $0x1;
	s10 =	sld [smem:$0x3FBA];
	_ =	sdelay $0x3  }
0x34: {  	[smem:$0x3FBA] =	sst s10  }
0x35: {  	s10 =	sld [smem:$0x3FB9];
	_ =	sdelay $0x3  }
0x36: {  	p1 =	seq.s32 s10, $0x1;
	s10 =	sld [smem:$0x3FBA];
	_ =	sdelay $0x3  }
0x37: {  	[smem:$0x3FBA] =	sst s10  }
0x38: {  	s10 =	sld [smem:$0x3FBB]  }
0x39: {  	_ = 	snop;
	(pc) =	sbr.ind lr, $3  }
0x3a: {  	_ = 	snop  }
0x3b: {  	_ = 	snop  }
0x3c: {  	p2 =	seq.s32 s10, $0x1;
	s10 =	sld [smem:$0x3FBA]  }
0x3d: {  	_ =	shalt  }
0x3e: {  	_ =	shalt  }
0x3f: {  	_ =	shalt  }
0x40: {  	_ =	shalt  }
0x41: {  	_ =	shalt  }
0x42: {  	_ =	shalt  }
0x43: {  	_ =	shalt  }
0x44: {  	_ =	shalt  }
0x45: {  	_ =	shalt  }
0x46: {  	_ =	shalt  }
0x47: {  	_ =	shalt  }
0x48: {  	_ =	shalt  }
0x49: {  	_ =	shalt  }
0x4a: {  	_ =	shalt  }
0x4b: {  	_ =	shalt  }
0x4c: {  	_ =	shalt  }
0x4d: {  	_ =	shalt  }
0x4e: {  	_ =	shalt  }
0x4f: {  	_ =	shalt  }
0x50: {  	_ =	shalt  }
0x51: {  	_ =	shalt  }
0x52: {  	_ =	shalt  }
0x53: {  	_ =	shalt  }
0x54: {  	_ =	shalt  }
0x55: {  	_ =	shalt  }
0x56: {  	_ =	shalt  }
0x57: {  	_ =	shalt  }
0x58: {  	_ =	shalt  }
0x59: {  	_ =	shalt  }
0x5a: {  	_ =	shalt  }
0x5b: {  	_ =	shalt  }
0x5c: {  	_ =	shalt  }
0x5d: {  	_ =	shalt  }
0x5e: {  	_ =	shalt  }
0x5f: {  	_ =	shalt  }
0x60: {  	_ =	shalt  }
0x61: {  	_ =	shalt  }
0x62: {  	_ =	shalt  }
0x63: {  	_ =	shalt  }
0x64: {  	_ =	shalt  }
0x65: {  	_ =	shalt  }
0x66: {  	_ =	shalt  }
0x67: {  	_ =	shalt  }
0x68: {  	_ =	shalt  }
0x69: {  	_ =	shalt  }
0x6a: {  	_ =	shalt  }
0x6b: {  	_ =	shalt  }
0x6c: {  	_ =	shalt  }
0x6d: {  	_ =	shalt  }
0x6e: {  	_ =	shalt  }
0x6f: {  	_ =	shalt  }
0x70: {  	_ =	shalt  }
0x71: {  	_ =	shalt  }
0x72: {  	_ =	shalt  }
0x73: {  	_ =	shalt  }
0x74: {  	_ =	shalt  }
0x75: {  	_ =	shalt  }
0x76: {  	_ =	shalt  }
0x77: {  	_ =	shalt  }
0x78: {  	_ =	shalt  }
0x79: {  	_ =	shalt  }
0x7a: {  	_ =	shalt  }
0x7b: {  	_ =	shalt  }
0x7c: {  	_ =	shalt  }
0x7d: {  	_ =	shalt  }
0x7e: {  	_ =	shalt  }
0x7f: {  	_ =	shalt  }
0x80: {  	_ =	shalt  }
0x81: {  	_ =	shalt  }
0x82: {  	_ =	shalt  }
0x83: {  	_ =	shalt  }
0x84: {  	_ =	shalt  }
0x85: {  	_ =	shalt  }
0x86: {  	_ =	shalt  }
0x87: {  	_ =	shalt  }
.Lfunc_end0:
.L_simem_size_0:
called_computation_lowered:
.L_overlay_start_0:
0x88: {  	s2 =	sld [smem:$0x3FD9]  }
0x89: {  	s3 =	sld [smem:$0x3FFE];
	_ =	sdelay $0x1  }
0x8a: {  	s1 =	srdreg.scid  }
0x8b: {  	s0 =	sand.u32 $0x1, s1  }
0x8c: {  	s17 =	sshll.u32 s0, $0xA;
	s2 =	sadd.s32 s3, s2  }
0x8d: {  	s2 =	sadd.s32 s2, s17  }
0x8e: {  	[smem:$0x3FC6] =	sst s2  }
0x8f: {  	_ = 	snop  }
0x90: {  	s2 =	sld [smem:$0x3FC9]  }
0x91: {  	s18 =	sld [smem:$0x3FC8]  }
0x92: {  	s4 =	sld [smem:$0x3FD0];
	(tm) =	ssettm $0x1  }
0x93: {  	s5 =	sld [smem:$0x3FFB];
	_ =	sdelay $0x3  }
0x94: {  	_ =	strace s5  }
0x95: {  	s5 =	sld [smem:$0x3FFC];
	_ =	sdelay $0x3  }
0x96: {  	_ =	strace s5  }
0x97: {  	s5 =	sld [smem:$0x3FFD];
	_ =	sdelay $0x3  }
0x98: {  	_ =	strace s5  }
0x99: {  	_ =	strace $0x8FFFFFFF  }
0x9a: {  	s19 =	sld [smem:$0x3FDB];
	_ =	sdelay $0x1  }
0x9b: {  	s6 =	simm.s32 $_scs_section_size  }
0x9c: {  	s7 =	simm.s32 $_size__tile_overlayer_lowered;
	s8 =	simm.s32 $_tile_overlayer_lowered  }
0x9d: {  	s22 =	simm.s32 $0x1BFF;
	s21 =	sshll.u32 s8, $0x1;
	s5 =	sadd.s32 s6, s19  }
0x9e: {  	s9 =	simm.s32 $0x0;
	s20 =	sshll.u32 s7, $0x1;
	s7 =	sadd.s32 s21, s5  }
0x9f: {  	[timem:s9], [sflag:s22] =	dma.local [hbm:s7], s20  }
0xa0: {  	_ =	swait.ge [sflag:s22], s20  }
0xa1: {  	s6 =	ssub.s32 $0x0, s20;
	[sflag:s22] =	ssyncset.done $0x0  }
0xa2: {  	[sflag:s22] =	ssyncadd.s32 s6;
	_ =	sdelay $0x1  }
0xa3: {  	s23 =	simm.s32 $0x1B8B  }
0xa4: {  	_ =	swait.ge [sflag:s23], $0x1  }
0xa5: {  	[sflag:s23] =	ssyncset.done $0x0  }
0xa6: {  	s25 =	simm.s32 $0x1B8E;
	s24 =	sld [smem:$0x3FFE];
	[sflag:s23] =	ssyncadd.s32 $0xFFFFFFFF  }
0xa7: {  	s26 =	simm.s32 $execute0_lowered;
	[smem:$0x3FD2] =	sst s25  }
0xa8: {  	s7 =	sshll.u32 s26, $0x1;
	_ =	strace $0x80000046;
	[dreg:$0x1] =	wrdreg $0xFFFFFFFF  }
0xa9: {  	s28 =	simm.s32 $_size_execute0_lowered;
	s5 =	sadd.s32 s5, s7;
	[dreg:$0x0] =	wrdreg $0x0  }
0xaa: {  	s7 =	sshll.u32 s28, $0x1;
	[dreg:$0x2] =	wrdreg s5  }
0xab: {  	[dreg:$0x3] =	wrdreg s7  }
0xac: {  	[dreg:$0x4] =	wrdreg $0xC0  }
0xad: {  	_ =	task [dreg:s9], $0x5FFFF  }
0xae: {  	[dreg:$0x1] =	wrdreg $0xFFFFFFFF  }
0xaf: {  	[dreg:$0x0] =	wrdreg $0x60  }
0xb0: {  	[dreg:$0x2] =	wrdreg s2  }
0xb1: {  	[dreg:$0x3] =	wrdreg s18  }
0xb2: {  	[dreg:$0x4] =	wrdreg s24  }
0xb3: {  	[dreg:$0x5] =	wrdreg s4  }
0xb4: {  	[dreg:$0x6] =	wrdreg $0x800  }
0xb5: {  	[dreg:$0x7] =	wrdreg $0x9  }
0xb6: {  	_ =	task.clear_ibuf [dreg:s9], $0x8FFFF;
	_ =	strace $0x90000046  }
0xb7: {  	s29 =	simm.s32 $0x9;
	_ =	strace $0x80000048  }
0xb8: {  	_ =	swait.ge [sflag:s29], $0x1  }
0xb9: {  	[sflag:s29] =	ssyncadd.s32 $0xFFFFFFFF  }
0xba: {  	_ =	strace $0x90000048  }
0xbb: {  	_ =	sfence  }
0xbc: {  	s30 =	sld [smem:$0x0];
	_ =	sdelay $0x2  }
0xbd: {  	s31 =	sshll.u32 s1, $0xD;
	s1 =	sshrl.u32 s1, $0x2  }
0xbe: {  	s3 =	sand.u32 $0x4000, s31;
	s1 =	sadd.s32 s1, s30  }
0xbf: {  	s0 =	sor.u32 s3, s0;
	s1 =	sshll.u32 s1, $0x11  }
0xc0: {  	s0 =	sor.u32 s1, s0  }
0xc1: {  	s0 =	sadd.s32 $0x8F2B, s0  }
0xc2: {  	[sflag:s0] =	ssyncadd.remote.s32 $0x1  }
0xc3: {  	_ =	sfence.sel $0xFFFF  }
0xc4: {  	[dreg:$0x0] =	wrdreg $0xFFFFFFFF;
	(pc) =	sbr.abs _section_cstart, $3  }
0xc5: {  	[dreg:$0x1] =	wrdreg $0xFFFFFFFF  }
0xc6: {  	_ =	task.clear_ibuf [dreg:s9], $0x2FFFF;
	_ =	strace $0x9FFFFFFF  }
0xc7: {  	(tm) =	ssettm $0x7FFFFFFF  }
tec
execute0_lowered:
.L_overlay_start_1:
0x0: {  	(tag) =	ssettag $0x1  }
0x1: {  	s1 =	rddreg [dreg:$0x0]  }
0x2: {  	s2 =	rddreg [dreg:$0x1]  }
0x3: {  	s5 =	rddreg [dreg:$0x2]  }
0x4: {  	s3 =	rddreg [dreg:$0x3]  }
0x5: {  	s6 =	srdreg.scid;
	s13 =	stileid.u32  }
0x6: {  	s12 =	rddreg [dreg:$0x4];
	s8 =	sand.u32 $0x1, s6;
	s7 =	sshll.u32 s13, $0x1  }
0x7: {  	s0 =	rddreg [dreg:$0x5];
	s4 =	simm.s32 $0x0;
	s16 =	sor.u32 s8, s7  }
0x8: {  	s31 =	sshll.u32 s13, $0xC;
	p0 =	sne.s32 s13, $0x0;
	p2 =	seq.s32 s16, $0xF  }
0x9: {  	s11 =	sshll.u32 s13, $0x6;
	p1 =	sgt.u32 s13, $0x7;
	s13 =	simm.s32 @!p2 $0x0  }
0xa: {  	[smem:$0x7FF] =	sst s4;
	s13 =	simm.s32 @p2 $0x1;
	p2 =	seq.s32 s16, $0xE  }
0xb: {  	_ =	strace $0x80000047;
	[smem:$0x7F0] =	sst s13;
	s13 =	simm.s32 @!p2 $0x0  }
0xc: {  	s13 =	simm.s32 @p2 $0x1;
	p2 =	seq.s32 s16, $0xD  }
0xd: {  	[smem:$0x7F1] =	sst s13;
	s13 =	simm.s32 @!p2 $0x0  }
0xe: {  	s13 =	simm.s32 @p2 $0x1;
	p2 =	seq.s32 s16, $0xC  }
0xf: {  	[smem:$0x7F2] =	sst s13;
	s13 =	simm.s32 @!p2 $0x0  }
0x10: {  	s13 =	simm.s32 @p2 $0x1;
	p2 =	seq.s32 s16, $0xB  }
0x11: {  	[smem:$0x7F3] =	sst s13;
	s13 =	simm.s32 @!p2 $0x0  }
0x12: {  	s13 =	simm.s32 @p2 $0x1;
	p2 =	seq.s32 s16, $0xA  }
0x13: {  	s17 =	simm.s32 @!p2 $0x0  }
0x14: {  	s17 =	simm.s32 @p2 $0x1;
	p2 =	seq.s32 s16, $0x9  }
0x15: {  	[smem:$0x7F5] =	sst s17;
	s17 =	simm.s32 @!p2 $0x0  }
0x16: {  	s10 =	simm.s32 $0x8;
	s17 =	simm.s32 @p2 $0x1;
	p2 =	seq.s32 s16, $0x8  }
0x17: {  	s14 =	simm.s32 $0x7;
	[smem:$0x7F6] =	sst s17;
	s17 =	simm.s32 @!p2 $0x0  }
0x18: {  	s15 =	simm.s32 $0x0;
	s17 =	simm.s32 @p2 $0x1;
	p2 =	seq.s32 s16, $0x7  }
0x19: {  	s5 =	sadd.s32 $0x400, s5;
	[smem:$0x7F7] =	sst s17;
	s17 =	simm.s32 @!p2 $0x0  }
0x1a: {  	s6 =	ssub.s32 $0x2, s8;
	s17 =	simm.s32 @p2 $0x1;
	p2 =	seq.s32 s16, $0x6  }
0x1b: {  	s8 =	sshll.u32 s8, $0xB;
	[smem:$0x7F8] =	sst s17;
	s17 =	simm.s32 @!p2 $0x0  }
0x1c: {  	s11 =	sor.u32 $0x1C07, s11;
	s17 =	simm.s32 @p2 $0x1;
	p2 =	seq.s32 s16, $0x5  }
0x1d: {  	s9 =	sshrl.u32 s6, $0x1;
	[smem:$0x7F9] =	sst s17;
	s17 =	simm.s32 @!p2 $0x0  }
0x1e: {  	s8 =	sor.u32 s8, s31;
	s17 =	simm.s32 @p2 $0x1;
	p2 =	seq.s32 s16, $0x4  }
0x1f: {  	p6 =	seq.s32 s16, $0x1;
	[smem:$0x7FA] =	sst s17;
	s17 =	simm.s32 @!p2 $0x0  }
0x20: {  	s30 =	ssub.s32 s6, s9;
	s17 =	simm.s32 @p2 $0x1;
	p2 =	seq.s32 s16, $0x3  }
0x21: {  	s6 =	sshll.u32 s16, $0x15;
	[smem:$0x7FB] =	sst s17;
	s17 =	simm.s32 @!p2 $0x0  }
0x22: {  	s9 =	sshrl.u32 @!p0 s12, $0x3;
	s17 =	simm.s32 @p2 $0x1;
	p2 =	seq.s32 s16, $0x2  }
0x23: {  	s12 =	sshrl.u32 s12, $0x3;
	[smem:$0x7FC] =	sst s17;
	s17 =	simm.s32 @!p2 $0x0  }
0x24: {  	s7 =	smax.u32 s30, $0x1;
	[smem:$0x7F4] =	sst s13;
	s17 =	simm.s32 @p2 $0x1  }
0x25: {  	v0 =	vimm.f32 $-1.000000000e+04;
	s13 =	simm.s32 $0x480;
	p2 =	seq.s32 s16, $0x0;
	[smem:$0x7FD] =	sst s17  }
.LBB2_1:
0x26: {  	s16 =	simm.s32 @!p0 $0x1C08  }
0x27: {  	[spmem:s9], [sflag:s16] =	dma.local @!p0 [hbm:s5], $0x800  }
0x28: {  	s16 =	simm.s32 @!p0 $0x8  }
0x29: {  	_ =	swait.ge @!p0 [sflag:s16], $0x800  }
0x2a: {  	[sflag:s16] =	ssyncset.done @!p0 $0x0  }
0x2b: {  	[sflag:s16] =	ssyncadd.s32 @!p0 $0xFFFFF800  }
0x2c: {  	[tilespmem:s4], [sflag:$0x8] =	stream.linear.gather [hbm4b:s2+s4], $0x80, $0x38;
	[tilespmem:$0x18480] =	vst v63  }
0x2d: {  	s20 =	sand.u32 $0x30, s4;
	p3 =	por $0x1, $0x1;
	_ =	swait.ge [sflag:s10], $0x80  }
0x2e: {  	s19 =	sand.u32 $0x3C, s4;
	s17 =	smov.u32 s8;
	[sflag:s10] =	ssyncset.done $0x0  }
0x2f: {  	s21 =	simm.s32 $0x1;
	p5 =	seq.s32 s19, $0x4;
	[sflag:s10] =	ssyncadd.s32 $0xFFFFFF80  }
0x30: {  	s17 =	simm.s32 @!p3 $0x0;
	s16 =	sand.u32 $0x38, s4;
	[bflag:$0x0] =	sbarrier.arrive $0xFFFF  }
0x31: {  	s18 =	smov.u32 s8;
	s17 =	smov.u32 @p5 s8;
	p4 =	seq.s32 s16, $0x8;
	v1 =	vld [tilespmem:$0x0]  }
.LBB2_2:
0x32: {  	p3 =	sne.s32 s21, $0x3F;
	p5 =	seq.s32 s20, $0x10  }
0x33: {  	s17 =	smov.u32 @p4 s18;
	p4 =	seq.s32 s20, $0x20;
	s22 =	smov.u32 s18  }
0x34: {  	s20 =	sand.u32 $0x30, s21;
	s17 =	smov.u32 @p5 s18;
	p5 =	seq.s32 s19, $0x30  }
0x35: {  	s18 =	sadd.s32 $0x10000, s18;
	s17 =	smov.u32 @p4 s22;
	p4 =	seq.s32 s19, $0x34  }
0x36: {  	s19 =	sand.u32 $0x3C, s21;
	s17 =	smov.u32 @p5 s22;
	p5 =	seq.s32 s16, $0x38  }
0x37: {  	s16 =	sand.u32 $0x38, s21;
	s17 =	smov.u32 @p4 s22;
	p4 =	slt.u32 s21, $0x4  }
.Ltmp0:
0x38: {  	s17 =	smov.u32 @p5 s22;
	s22 =	smov.u32 s18;
	(pc) =	sbr.rel @p3 .LBB2_2-.Ltmp0, $4  }
0x39: {  	p5 =	seq.s32 s19, $0x4;
	s22 =	simm.s32 @!p4 $0x0;
	s17 =	sadd.s32 s3, s17  }
0x3a: {  	[hbm:s17], [sflag:s11] =	dma.local [spmem:s12], $0x800  }
0x3b: {  	s17 =	smov.u32 s22  }
0x3c: {  	s21 =	sadd.s32 $0x1, s21;
	p4 =	seq.s32 s16, $0x8;
	s17 =	smov.u32 @p5 s18  }
0x3d: {  	s17 =	smov.u32 @p4 s18;
	p3 =	seq.s32 s20, $0x10  }
0x3e: {  	s17 =	smov.u32 @p3 s18;
	p3 =	seq.s32 s20, $0x20  }
0x3f: {  	s17 =	smov.u32 @p3 s18;
	p3 =	seq.s32 s19, $0x30  }
0x40: {  	s17 =	smov.u32 @p3 s18;
	p3 =	seq.s32 s19, $0x34  }
0x41: {  	s17 =	smov.u32 @p3 s18;
	p3 =	seq.s32 s16, $0x38  }
0x42: {  	s17 =	smov.u32 @p3 s18  }
0x43: {  	s28 =	sadd.s32 s3, s17  }
0x44: {  	[hbm:s28], [sflag:s11] =	dma.local [spmem:s12], $0x800  }
0x45: {  	(v2sf) =	vpush v1, $0x0  }
0x46: {  	(v2sf) =	vpush v1, $0x1  }
0x47: {  	(v2sf) =	vpush v1, $0x2  }
0x48: {  	(v2sf) =	vpush v1, $0x3  }
0x49: {  	(v2sf) =	vpush v1, $0x4;
	_ =	sdelay $0x1  }
0x4a: {  	s29 =	sld [smem:$0x7FD];
	(v2sf) =	vpush v1, $0x5  }
0x4b: {  	s30 =	sld [smem:$0x7FC];
	(v2sf) =	vpush v1, $0x6  }
0x4c: {  	s31 =	sld [smem:$0x7FB];
	(v2sf) =	vpush v1, $0x7  }
0x4d: {  	s20 =	sld [smem:$0x7FA];
	(v2sf) =	vpush v1, $0x8  }
0x4e: {  	s21 =	sld [smem:$0x7F9];
	(v2sf) =	vpush v1, $0x9  }
0x4f: {  	s22 =	sld [smem:$0x7F8];
	(v2sf) =	vpush v1, $0xA  }
0x50: {  	s23 =	sld [smem:$0x7F7];
	(v2sf) =	vpush v1, $0xB  }
0x51: {  	s24 =	sld [smem:$0x7F6];
	(v2sf) =	vpush v1, $0xC  }
0x52: {  	s25 =	sld [smem:$0x7F5];
	(v2sf) =	vpush v1, $0xD  }
0x53: {  	s26 =	sld [smem:$0x7F4];
	(v2sf) =	vpush v1, $0xE;
	s17 =	spop (v2sf)  }
0x54: {  	s28 =	sld [smem:$0x7F3];
	(v2sf) =	vpush v1, $0xF;
	s16 =	spop (v2sf);
	s17 =	simm.s32 @!p2 $0x0  }
0x55: {  	p3 =	seq.s32 s29, $0x1;
	s18 =	spop (v2sf);
	s17 =	smov.u32 @p6 s16  }
0x56: {  	s29 =	sld [smem:$0x7F2];
	s16 =	spop (v2sf);
	s17 =	smov.u32 @p3 s18  }
0x57: {  	p3 =	seq.s32 s30, $0x1;
	s30 =	sld [smem:$0x7F1];
	s18 =	spop (v2sf)  }
0x58: {  	s17 =	smov.u32 @p3 s16;
	p3 =	seq.s32 s31, $0x1;
	s31 =	sld [smem:$0x7F0]  }
0x59: {  	s16 =	spop (v2sf);
	s17 =	smov.u32 @p3 s18;
	p3 =	seq.s32 s20, $0x1  }
0x5a: {  	s18 =	spop (v2sf);
	s17 =	smov.u32 @p3 s16;
	p3 =	seq.s32 s21, $0x1  }
0x5b: {  	s16 =	spop (v2sf);
	s17 =	smov.u32 @p3 s18;
	p3 =	seq.s32 s22, $0x1  }
0x5c: {  	s18 =	spop (v2sf);
	s17 =	smov.u32 @p3 s16;
	p3 =	seq.s32 s23, $0x1  }
0x5d: {  	s16 =	spop (v2sf);
	s17 =	smov.u32 @p3 s18;
	p3 =	seq.s32 s24, $0x1  }
0x5e: {  	s18 =	spop (v2sf);
	s17 =	smov.u32 @p3 s16;
	p3 =	seq.s32 s25, $0x1  }
0x5f: {  	s16 =	spop (v2sf);
	s17 =	smov.u32 @p3 s18;
	p3 =	seq.s32 s26, $0x1  }
0x60: {  	s18 =	spop (v2sf);
	s17 =	smov.u32 @p3 s16;
	p3 =	seq.s32 s28, $0x1  }
0x61: {  	s16 =	spop (v2sf);
	s17 =	smov.u32 @p3 s18;
	p3 =	seq.s32 s29, $0x1  }
0x62: {  	s18 =	spop (v2sf);
	s17 =	smov.u32 @p3 s16;
	p3 =	seq.s32 s30, $0x1  }
0x63: {  	s16 =	spop (v2sf);
	s17 =	smov.u32 @p3 s18;
	p3 =	seq.s32 s31, $0x1  }
0x64: {  	s17 =	smov.u32 @p3 s16  }
0x65: {  	s16 =	sand.u32 $0x1F, s17  }
0x66: {  	p3 =	seq.s32 @!p1 s16, $0x0  }
0x67: {  	p3 =	por p1, p3  }
.Ltmp1:
0x68: {  	_ = 	snop;
	(pc) =	sbr.rel @p3 .LBB2_7-.Ltmp1, $1  }
0x69: {  	_ =	sdelay $0x3  }
0x6a: {  	s18 =	sshra.s32 s17, $0x1F  }
0x6b: {  	s18 =	sshrl.u32 s18, $0x1B  }
0x6c: {  	s18 =	sadd.s32 s18, s17  }
0x6d: {  	s19 =	sand.u32 $0xFFFFFFE0, s18  }
0x6e: {  	p3 =	slt.s32 s17, $0x1;
	p4 =	sne.s32 s17, s19  }
0x6f: {  	p3 =	por !p3, !p4  }
0x70: {  	s28 =	simm.s32 $0x0;
	s17 =	simm.s32 $0x1;
	p3 =	por !p3, !p3  }
0x71: {  	s29 =	sshll.u32 s16, $0x6;
	s18 =	sshrl.u32 s18, $0x5;
	s17 =	simm.s32 @!p3 $0x0  }
0x72: {  	s30 =	sadd.s32 $0x0, s16;
	s21 =	simm.s32 $0x0;
	s17 =	ssub.s32 s18, s17  }
0x73: {  	s22 =	simm.s32 $0x0;
	s20 =	sshll.u32 s30, $0xA;
	s17 =	sshll.u32 s17, $0xF  }
0x74: {  	s21 =	sand.u32 $0x1C00, s21;
	s18 =	ssub.s32 $0x800, s29;
	s17 =	sadd.s32 s6, s17  }
0x75: {  	s20 =	sand.u32 $0xFFFFE000, s20;
	p3 =	sne.s32 s18, $0x1;
	s17 =	sshrl.u32 s17, $0x3  }
.Ltmp2:
0x76: {  	s19 =	sshll.u32 s30, $0x7;
	s26 =	sadd.s32 s1, s17;
	(pc) =	sbr.rel @!p3 .LBB2_6-.Ltmp2, $4  }
0x77: {  	[tilespmem:s13], [sflag:$0x8] =	stream.linear.gather [hbm4b:s26+s28], $0x8000, $0x38;
	[tilespmem:$0x18480] =	vst v63  }
0x78: {  	s20 =	sor.u32 s21, s20;
	s19 =	sand.u32 $0x380, s19;
	_ =	swait.ge [sflag:s10], $0x8000  }
0x79: {  	s31 =	sand.u32 $0x70, s22;
	s20 =	sor.u32 s19, s20;
	[sflag:s10] =	ssyncset.done $0x0  }
0x7a: {  	s19 =	simm.s32 $0x1;
	s20 =	sor.u32 s31, s20;
	[sflag:s10] =	ssyncadd.s32 $0xFFFF8000  }
.LBB2_5:
0x7b: {  	s21 =	sshrl.u32 s19, $0x6;
	[tilespmem:s20+$0x480] =	vst v0;
	s20 =	smov.u32 s19;
	s19 =	sadd.s32 $0x1, s19  }
0x7c: {  	s21 =	sadd.s32 s16, s21;
	p3 =	sne.s32 s18, s19  }
.Ltmp3:
0x7d: {  	s23 =	sshll.u32 s20, $0x7;
	s22 =	sshll.u32 s21, $0xA;
	(pc) =	sbr.rel @p3 .LBB2_5-.Ltmp3, $4  }
0x7e: {  	s23 =	sand.u32 $0x1C00, s23;
	s21 =	sshll.u32 s21, $0x7;
	s22 =	sand.u32 $0xFFFFE000, s22  }
0x7f: {  	s20 =	sshll.u32 s20, $0x4;
	s21 =	sand.u32 $0x380, s21;
	s22 =	sor.u32 s23, s22  }
0x80: {  	s20 =	sand.u32 $0x70, s20;
	s21 =	sor.u32 s21, s22  }
0x81: {  	s20 =	sor.u32 s20, s21  }
.LBB2_6:
0x82: {  	[tilespmem:s20+$0x480] =	vst v0;
	s16 =	sadd.s32 s3, s17  }
0x83: {  	[hbm4b:s16+s4] =	stream.linear.scatter [tilespmem:s13], [sflag:$0x8], $0x8000, $0x38;
	[tilespmem:$0x18480] =	vst v63  }
0x84: {  	_ =	swait.ge [sflag:s10], $0x8000  }
0x85: {  	[sflag:s10] =	ssyncset.done $0x0  }
0x86: {  	[sflag:s10] =	ssyncadd.s32 $0xFFFF8000  }
.LBB2_7:
0x87: {  	_ =	swait.ge [sflag:s14], $0x800  }
0x88: {  	s16 =	simm.s32 $0x3F;
	[sflag:s14] =	ssyncset.done $0x0  }
.LBB2_8:
0x89: {  	p3 =	sne.s32 s16, $0x1;
	s16 =	sadd.s32 $0xFFFFFFFF, s16;
	[sflag:s14] =	ssyncadd.s32 $0xFFFFF800  }
.Ltmp4:
0x8a: {  	(pc) =	sbr.rel @p3 .LBB2_8-.Ltmp4, $3  }
0x8b: {  	_ =	sdelay $0x1  }
0x8c: {  	_ =	swait.ge [sflag:s14], $0x800  }
0x8d: {  	[sflag:s14] =	ssyncset.done $0x0  }
0x8e: {  	s15 =	sadd.s32 $0x1, s15  }
0x8f: {  	p3 =	sne.s32 s15, s7  }
.Ltmp5:
0x90: {  	_ = 	snop;
	(pc) =	sbr.rel @p3 .LBB2_1-.Ltmp5, $2  }
0x91: {  	_ =	sdelay $0x2  }
0x92: {  	[sflag:s14] =	ssyncadd.s32 $0xFFFFF800  }
0x93: {  	_ =	sfence.sel $0x180000  }
0x94: {  	[bflag:$0x0] =	sbarrier.arrive $0xFFFF  }
0x95: {  	_ =	strace $0x90000047  }
0x96: {  	s0 =	sadd.s32 @!p0 $0x100000, s0;
	[bflag:$0x2] =	sbarrier.arrive $0xFFFF  }
0x97: {  	[sflag:s0] =	ssyncadd.tile.s32 @!p0 $0x1;
	_ =	shalt  }
.Lfunc_end2:
_tile_overlayer_lowered:
.L_overlay_start_2:
0x98: {  	(tag) =	ssettag $0x2  }
0x99: {  	s0 =	rddreg [dreg:$0x0];
	s2 =	stileid.u32  }
0x9a: {  	s1 =	rddreg [dreg:$0x1];
	p0 =	sne.s32 s2, $0x0  }
0x9b: {  	s3 =	rddreg [dreg:$0x2];
	[bflag:$0x3] =	sbarrier.arrive $0xFFFF;
	s2 =	simm.s32 @!p0 $0x1C08  }
0x9c: {  	[timem:s3], [sflag:s2] =	dma.local @!p0 [hbm:s0], s1  }
0x9d: {  	s0 =	simm.s32 @!p0 $0x8  }
0x9e: {  	_ =	swait.ge @!p0 [sflag:s0], s1  }
0x9f: {  	s1 =	ssub.s32 @!p0 $0x0, s1;
	[sflag:s0] =	ssyncset.done @!p0 $0x0  }
0xa0: {  	[sflag:s0] =	ssyncadd.s32 @!p0 s1  }
0xa1: {  	[bflag:$0x3] =	sbarrier.arrive $0xFFFF  }
0xa2: {  	_ =	shalt  }

</sc_bundles>
